<compile_context>
chip_gen: v7x
topology: tpu7x:2x2x1
jax: 0.10.2.dev20260603
libtpu: 0.0.44.dev20260713+nightly
codegen_flags: <defaults>
</compile_context>

<pallas_src>
import functools

import jax
import jax.numpy as jnp
from jax import lax
from jax.experimental import pallas as pl
from jax.experimental.pallas import tpu as pltpu
from jax.experimental.pallas import tpu_sc as plsc

MAX_LEN = 50
BATCH = 1024
N_RULES = 256
N_TOKENS = 1000
COPY_LEN = 200

_NW = 32
_U = 8

_PLANS = (
    (BATCH, N_RULES),
    (N_TOKENS, BATCH),
    (COPY_LEN, BATCH),
)
_UNITS = tuple(rows // _U for rows, _ in _PLANS)
_MAXU = tuple(-(-u // _NW) for u in _UNITS)
_NQ = sum(_MAXU)

_mesh = plsc.VectorSubcoreMesh(core_axis_name="c", subcore_axis_name="s")


@functools.partial(
    pl.kernel,
    mesh=_mesh,
    out_type=[
        jax.ShapeDtypeStruct((BATCH, N_RULES), jnp.float32),
        jax.ShapeDtypeStruct((N_TOKENS, BATCH), jnp.float32),
        jax.ShapeDtypeStruct((COPY_LEN, BATCH), jnp.float32),
    ],
    scratch_types=[
        pltpu.VMEM((16,), jnp.int32),
        pltpu.VMEM((4 * _U, N_RULES), jnp.float32),
        pltpu.VMEM((4 * _U, BATCH), jnp.float32),
        pltpu.VMEM((1 * _U, BATCH), jnp.float32),
        pltpu.SemaphoreType.DMA((_NQ,)),
        pltpu.SemaphoreType.DMA((_NQ,)),
    ],
)
def _sc_gather(r_in, t_in, c_in, len_in, r_out, t_out, c_out,
               len_v, rb, tb, cb, isems, osems):
    wid = lax.axis_index("s") * 2 + lax.axis_index("c")
    pltpu.sync_copy(len_in, len_v.at[pl.ds(0, 1)])
    l = len_v[pl.ds(0, 16)][0]
    idx = jnp.where(l == 0, MAX_LEN - 1, l - 1)

    work = []
    q = 0
    for (src, dst, buf), n_units, maxu in zip(
        ((r_in, r_out, rb), (t_in, t_out, tb), (c_in, c_out, cb)),
        _UNITS,
        _MAXU,
    ):
        lo = (wid * n_units) // _NW
        hi = ((wid + 1) * n_units) // _NW
        for u in range(maxu):
            src_sl = pl.ds((lo + u) * _U, _U)
            buf_sl = pl.ds(u * _U, _U)
            cin = pltpu.make_async_copy(
                src.at[idx, src_sl], buf.at[buf_sl], isems.at[q]
            )
            cout = pltpu.make_async_copy(
                buf.at[buf_sl], dst.at[src_sl], osems.at[q]
            )
            work.append((u < hi - lo, cin, cout))
            q += 1

    for active, cin, _ in work:
        @pl.when(active)
        def _(cin=cin):
            cin.start()
    for active, cin, cout in work:
        @pl.when(active)
        def _(cin=cin, cout=cout):
            cin.wait()
            cout.start()
    for active, _, cout in work:
        @pl.when(active)
        def _(cout=cout):
            cout.wait()


def kernel(rule_prob, token_prob, copy_prob, length):
    token_t = jnp.swapaxes(token_prob, 1, 2)
    copy_t = jnp.swapaxes(copy_prob, 1, 2)
    r, t, c = _sc_gather(rule_prob, token_t, copy_t, length)
    return (r, t.T, c.T)

# --- scband reference (transcript-rebuilt; emitter-appended) ---
"""Pipeline reference for scband-decoder-module-56195352100882 (READ-ONLY COPY).

The authoritative reference and input builder live on the scoring server;
editing this copy changes nothing except your own understanding.
"""

import jax, jax.numpy as jnp
import numpy as np

MAX_LEN = 50
BATCH = 1024
N_RULES = 256
N_TOKENS = 1000
COPY_LEN = 200


def setup_inputs(seed: int = 0) -> dict:
    key = jax.random.key(seed)
    k1, k2, k3, k4 = jax.random.split(key, 4)
    rule_prob = jax.random.uniform(k1, (MAX_LEN, BATCH, N_RULES), dtype=jnp.float32)
    token_prob = jax.random.uniform(k2, (MAX_LEN, BATCH, N_TOKENS), dtype=jnp.float32)
    copy_prob = jax.random.uniform(k3, (MAX_LEN, BATCH, COPY_LEN), dtype=jnp.float32)
    length = jax.random.randint(k4, (1,), 0, MAX_LEN, dtype=jnp.int32)
    return {"rule_prob": rule_prob, "token_prob": token_prob, "copy_prob": copy_prob, "length": length}


def reference(rule_prob, token_prob, copy_prob, length):
    # Faithful translation of DecoderModule.forward:
    #   length = kwargs['length'][0] - 1
    #   rule_probs  = self.rule_prob[length]
    #   token_probs = self.token_prob[length]
    #   copy_probs  = self.copy_prob[length]
    idx = length[0] - 1
    rule_probs = jnp.take(rule_prob, idx, axis=0)
    token_probs = jnp.take(token_prob, idx, axis=0)
    copy_probs = jnp.take(copy_prob, idx, axis=0)
    return (rule_probs, token_probs, copy_probs)

if __name__ == "__main__":
    import jax
    _d = setup_inputs()
    print(jax.jit(kernel)(*tuple(_d.values())))

</pallas_src>

<mosaic_0001>
#map = affine_map<(d0, d1) -> (0, 0, 0)>
#map1 = affine_map<(d0, d1) -> (0)>
#map2 = affine_map<(d0, d1) -> (0, 0)>
module attributes {stable_mosaic.version = 14 : i64} {
  func.func @_sc_gather(%arg0: i32, %arg1: i32, %arg2: memref<50x1024x256xf32, #tpu.memory_space<hbm>>, %arg3: memref<50x1000x1024xf32, #tpu.memory_space<hbm>>, %arg4: memref<50x200x1024xf32, #tpu.memory_space<hbm>>, %arg5: memref<1xi32, #tpu.memory_space<hbm>>, %arg6: memref<1024x256xf32, #tpu.memory_space<hbm>>, %arg7: memref<1000x1024xf32, #tpu.memory_space<hbm>>, %arg8: memref<200x1024xf32, #tpu.memory_space<hbm>>, %arg9: memref<16xi32, #tpu.memory_space<vmem>>, %arg10: memref<32x256xf32, #tpu.memory_space<vmem>>, %arg11: memref<32x1024xf32, #tpu.memory_space<vmem>>, %arg12: memref<8x1024xf32, #tpu.memory_space<vmem>>, %arg13: memref<9x!tpu.dma_semaphore, #tpu.memory_space<semaphore_mem>>, %arg14: memref<9x!tpu.dma_semaphore, #tpu.memory_space<semaphore_mem>>) attributes {dimension_semantics = [#tpu.dimension_semantics<core_parallel>, #tpu.dimension_semantics<subcore_parallel>], iteration_bounds = array<i64: 2, 16>, scalar_prefetch = 0 : i64, scratch_operands = 6 : i64, tpu.core_type = #tpu.core_type<sc_vector_subcore>, window_params = [{transform_indices = #map}, {transform_indices = #map}, {transform_indices = #map}, {transform_indices = #map1}, {transform_indices = #map2}, {transform_indices = #map2}, {transform_indices = #map2}]} {
    %mul3A = arith.constant 2 : i32
    %mul3A_0 = arith.muli %arg1, %mul3A : i32
    %add3A = arith.addi %mul3A_0, %arg0 : i32
    "tpu.region"() ({
      %run_scoped3A = tpu.sem_alloc : memref<!tpu.dma_semaphore, #tpu.memory_space<semaphore_mem>>
      %dma_start3A = arith.constant 0 : i32
      %dma_start3A_339 = tpu.memref_slice %arg9[%dma_start3A] : memref<16xi32, #tpu.memory_space<vmem>> -> memref<1xi32, #tpu.memory_space<vmem>>
      %dma_start3A_340 = arith.constant 0 : i32
      %dma_start3A_341 = tpu.memref_slice %arg9[%dma_start3A_340] : memref<16xi32, #tpu.memory_space<vmem>> -> memref<1xi32, #tpu.memory_space<vmem>>
      tpu.enqueue_dma source(%arg5 : memref<1xi32, #tpu.memory_space<hbm>>) target(%dma_start3A_341 : memref<1xi32, #tpu.memory_space<vmem>>) target_semaphore(%run_scoped3A : memref<!tpu.dma_semaphore, #tpu.memory_space<semaphore_mem>>)
      %dma_wait3A = arith.constant 0 : i32
      %dma_wait3A_342 = tpu.memref_slice %arg9[%dma_wait3A] : memref<16xi32, #tpu.memory_space<vmem>> -> memref<1xi32, #tpu.memory_space<vmem>>
      %dma_wait3A_343 = arith.constant 0 : i32
      %dma_wait3A_344 = tpu.memref_slice %arg9[%dma_wait3A_343] : memref<16xi32, #tpu.memory_space<vmem>> -> memref<1xi32, #tpu.memory_space<vmem>>
      tpu.wait_dma2 semaphore(%run_scoped3A : memref<!tpu.dma_semaphore, #tpu.memory_space<semaphore_mem>>) src(%arg5 : memref<1xi32, #tpu.memory_space<hbm>>) dst(%dma_wait3A_344 : memref<1xi32, #tpu.memory_space<vmem>>)
      tpu.yield
    }) : () -> ()
    %get3A = arith.constant 0 : index
    %get3A_1 = tpu.vector_load %arg9[%get3A] {strides = array<i32>} : memref<16xi32, #tpu.memory_space<vmem>>, vector<16xi32>,
    %get3A_2 = vector.shape_cast %get3A_1 : vector<16xi32> to vector<16xi32>
    %slice3A = vector.extract_strided_slice %get3A_2 {offsets = [0], sizes = [1], strides = [1]} : vector<16xi32> to vector<1xi32>
    %squeeze3A = vector.extract %slice3A[0] : i32 from vector<1xi32>
    %eq3A = arith.constant 0 : i32
    %eq3A_3 = arith.cmpi eq, %squeeze3A, %eq3A : i32
    %sub3A = arith.constant 1 : i32
    %sub3A_4 = arith.subi %squeeze3A, %sub3A : i32
    %jit3A = arith.constant 49 : i32
    %select_n3A = arith.select %eq3A_3, %jit3A, %sub3A_4 : i32
    %mul3A_5 = arith.constant 128 : i32
    %mul3A_6 = arith.muli %add3A, %mul3A_5 : i32
    %jit3A_7 = arith.constant 32 : i32
    %div3A = arith.divsi %mul3A_6, %jit3A_7 : i32
    %sign3A = arith.constant 0 : i32
    %sign3A_8 = arith.cmpi sgt, %mul3A_6, %sign3A : i32
    %sign3A_9 = arith.extui %sign3A_8 : i1 to i32
    %sign3A_10 = arith.constant 0 : i32
    %sign3A_11 = arith.cmpi slt, %mul3A_6, %sign3A_10 : i32
    %sign3A_12 = arith.extui %sign3A_11 : i1 to i32
    %sign3A_13 = arith.subi %sign3A_9, %sign3A_12 : i32
    %sign3A_14 = arith.constant 0 : i32
    %sign3A_15 = arith.cmpi sgt, %jit3A_7, %sign3A_14 : i32
    %sign3A_16 = arith.extui %sign3A_15 : i1 to i32
    %sign3A_17 = arith.constant 0 : i32
    %sign3A_18 = arith.cmpi slt, %jit3A_7, %sign3A_17 : i32
    %sign3A_19 = arith.extui %sign3A_18 : i1 to i32
    %sign3A_20 = arith.subi %sign3A_16, %sign3A_19 : i32
    %ne3A = arith.cmpi ne, %sign3A_13, %sign3A_20 : i32
    %rem3A = arith.remsi %mul3A_6, %jit3A_7 : i32
    %ne3A_21 = arith.constant 0 : i32
    %ne3A_22 = arith.cmpi ne, %rem3A, %ne3A_21 : i32
    %and3A = arith.andi %ne3A, %ne3A_22 : i1
    %sub3A_23 = arith.constant 1 : i32
    %sub3A_24 = arith.subi %div3A, %sub3A_23 : i32
    %select_n3A_25 = arith.select %and3A, %sub3A_24, %div3A : i32
    %add3A_26 = arith.constant 1 : i32
    %add3A_27 = arith.addi %add3A, %add3A_26 : i32
    %mul3A_28 = arith.constant 128 : i32
    %mul3A_29 = arith.muli %add3A_27, %mul3A_28 : i32
    %jit3A_30 = arith.constant 32 : i32
    %div3A_31 = arith.divsi %mul3A_29, %jit3A_30 : i32
    %sign3A_32 = arith.constant 0 : i32
    %sign3A_33 = arith.cmpi sgt, %mul3A_29, %sign3A_32 : i32
    %sign3A_34 = arith.extui %sign3A_33 : i1 to i32
    %sign3A_35 = arith.constant 0 : i32
    %sign3A_36 = arith.cmpi slt, %mul3A_29, %sign3A_35 : i32
    %sign3A_37 = arith.extui %sign3A_36 : i1 to i32
    %sign3A_38 = arith.subi %sign3A_34, %sign3A_37 : i32
    %sign3A_39 = arith.constant 0 : i32
    %sign3A_40 = arith.cmpi sgt, %jit3A_30, %sign3A_39 : i32
    %sign3A_41 = arith.extui %sign3A_40 : i1 to i32
    %sign3A_42 = arith.constant 0 : i32
    %sign3A_43 = arith.cmpi slt, %jit3A_30, %sign3A_42 : i32
    %sign3A_44 = arith.extui %sign3A_43 : i1 to i32
    %sign3A_45 = arith.subi %sign3A_41, %sign3A_44 : i32
    %ne3A_46 = arith.cmpi ne, %sign3A_38, %sign3A_45 : i32
    %rem3A_47 = arith.remsi %mul3A_29, %jit3A_30 : i32
    %ne3A_48 = arith.constant 0 : i32
    %ne3A_49 = arith.cmpi ne, %rem3A_47, %ne3A_48 : i32
    %and3A_50 = arith.andi %ne3A_46, %ne3A_49 : i1
    %sub3A_51 = arith.constant 1 : i32
    %sub3A_52 = arith.subi %div3A_31, %sub3A_51 : i32
    %select_n3A_53 = arith.select %and3A_50, %sub3A_52, %div3A_31 : i32
    %add3A_54 = arith.constant 0 : i32
    %add3A_55 = arith.addi %select_n3A_25, %add3A_54 : i32
    %mul3A_56 = arith.constant 8 : i32
    %mul3A_57 = arith.muli %add3A_55, %mul3A_56 : i32
    %sub3A_58 = arith.subi %select_n3A_53, %select_n3A_25 : i32
    %gt3A = arith.constant 0 : i32
    %gt3A_59 = arith.cmpi sgt, %sub3A_58, %gt3A : i32
    %add3A_60 = arith.constant 1 : i32
    %add3A_61 = arith.addi %select_n3A_25, %add3A_60 : i32
    %mul3A_62 = arith.constant 8 : i32
    %mul3A_63 = arith.muli %add3A_61, %mul3A_62 : i32
    %sub3A_64 = arith.subi %select_n3A_53, %select_n3A_25 : i32
    %gt3A_65 = arith.constant 1 : i32
    %gt3A_66 = arith.cmpi sgt, %sub3A_64, %gt3A_65 : i32
    %add3A_67 = arith.constant 2 : i32
    %add3A_68 = arith.addi %select_n3A_25, %add3A_67 : i32
    %mul3A_69 = arith.constant 8 : i32
    %mul3A_70 = arith.muli %add3A_68, %mul3A_69 : i32
    %sub3A_71 = arith.subi %select_n3A_53, %select_n3A_25 : i32
    %gt3A_72 = arith.constant 2 : i32
    %gt3A_73 = arith.cmpi sgt, %sub3A_71, %gt3A_72 : i32
    %add3A_74 = arith.constant 3 : i32
    %add3A_75 = arith.addi %select_n3A_25, %add3A_74 : i32
    %mul3A_76 = arith.constant 8 : i32
    %mul3A_77 = arith.muli %add3A_75, %mul3A_76 : i32
    %sub3A_78 = arith.subi %select_n3A_53, %select_n3A_25 : i32
    %gt3A_79 = arith.constant 3 : i32
    %gt3A_80 = arith.cmpi sgt, %sub3A_78, %gt3A_79 : i32
    %mul3A_81 = arith.constant 125 : i32
    %mul3A_82 = arith.muli %add3A, %mul3A_81 : i32
    %jit3A_83 = arith.constant 32 : i32
    %div3A_84 = arith.divsi %mul3A_82, %jit3A_83 : i32
    %sign3A_85 = arith.constant 0 : i32
    %sign3A_86 = arith.cmpi sgt, %mul3A_82, %sign3A_85 : i32
    %sign3A_87 = arith.extui %sign3A_86 : i1 to i32
    %sign3A_88 = arith.constant 0 : i32
    %sign3A_89 = arith.cmpi slt, %mul3A_82, %sign3A_88 : i32
    %sign3A_90 = arith.extui %sign3A_89 : i1 to i32
    %sign3A_91 = arith.subi %sign3A_87, %sign3A_90 : i32
    %sign3A_92 = arith.constant 0 : i32
    %sign3A_93 = arith.cmpi sgt, %jit3A_83, %sign3A_92 : i32
    %sign3A_94 = arith.extui %sign3A_93 : i1 to i32
    %sign3A_95 = arith.constant 0 : i32
    %sign3A_96 = arith.cmpi slt, %jit3A_83, %sign3A_95 : i32
    %sign3A_97 = arith.extui %sign3A_96 : i1 to i32
    %sign3A_98 = arith.subi %sign3A_94, %sign3A_97 : i32
    %ne3A_99 = arith.cmpi ne, %sign3A_91, %sign3A_98 : i32
    %rem3A_100 = arith.remsi %mul3A_82, %jit3A_83 : i32
    %ne3A_101 = arith.constant 0 : i32
    %ne3A_102 = arith.cmpi ne, %rem3A_100, %ne3A_101 : i32
    %and3A_103 = arith.andi %ne3A_99, %ne3A_102 : i1
    %sub3A_104 = arith.constant 1 : i32
    %sub3A_105 = arith.subi %div3A_84, %sub3A_104 : i32
    %select_n3A_106 = arith.select %and3A_103, %sub3A_105, %div3A_84 : i32
    %add3A_107 = arith.constant 1 : i32
    %add3A_108 = arith.addi %add3A, %add3A_107 : i32
    %mul3A_109 = arith.constant 125 : i32
    %mul3A_110 = arith.muli %add3A_108, %mul3A_109 : i32
    %jit3A_111 = arith.constant 32 : i32
    %div3A_112 = arith.divsi %mul3A_110, %jit3A_111 : i32
    %sign3A_113 = arith.constant 0 : i32
    %sign3A_114 = arith.cmpi sgt, %mul3A_110, %sign3A_113 : i32
    %sign3A_115 = arith.extui %sign3A_114 : i1 to i32
    %sign3A_116 = arith.constant 0 : i32
    %sign3A_117 = arith.cmpi slt, %mul3A_110, %sign3A_116 : i32
    %sign3A_118 = arith.extui %sign3A_117 : i1 to i32
    %sign3A_119 = arith.subi %sign3A_115, %sign3A_118 : i32
    %sign3A_120 = arith.constant 0 : i32
    %sign3A_121 = arith.cmpi sgt, %jit3A_111, %sign3A_120 : i32
    %sign3A_122 = arith.extui %sign3A_121 : i1 to i32
    %sign3A_123 = arith.constant 0 : i32
    %sign3A_124 = arith.cmpi slt, %jit3A_111, %sign3A_123 : i32
    %sign3A_125 = arith.extui %sign3A_124 : i1 to i32
    %sign3A_126 = arith.subi %sign3A_122, %sign3A_125 : i32
    %ne3A_127 = arith.cmpi ne, %sign3A_119, %sign3A_126 : i32
    %rem3A_128 = arith.remsi %mul3A_110, %jit3A_111 : i32
    %ne3A_129 = arith.constant 0 : i32
    %ne3A_130 = arith.cmpi ne, %rem3A_128, %ne3A_129 : i32
    %and3A_131 = arith.andi %ne3A_127, %ne3A_130 : i1
    %sub3A_132 = arith.constant 1 : i32
    %sub3A_133 = arith.subi %div3A_112, %sub3A_132 : i32
    %select_n3A_134 = arith.select %and3A_131, %sub3A_133, %div3A_112 : i32
    %add3A_135 = arith.constant 0 : i32
    %add3A_136 = arith.addi %select_n3A_106, %add3A_135 : i32
    %mul3A_137 = arith.constant 8 : i32
    %mul3A_138 = arith.muli %add3A_136, %mul3A_137 : i32
    %sub3A_139 = arith.subi %select_n3A_134, %select_n3A_106 : i32
    %gt3A_140 = arith.constant 0 : i32
    %gt3A_141 = arith.cmpi sgt, %sub3A_139, %gt3A_140 : i32
    %add3A_142 = arith.constant 1 : i32
    %add3A_143 = arith.addi %select_n3A_106, %add3A_142 : i32
    %mul3A_144 = arith.constant 8 : i32
    %mul3A_145 = arith.muli %add3A_143, %mul3A_144 : i32
    %sub3A_146 = arith.subi %select_n3A_134, %select_n3A_106 : i32
    %gt3A_147 = arith.constant 1 : i32
    %gt3A_148 = arith.cmpi sgt, %sub3A_146, %gt3A_147 : i32
    %add3A_149 = arith.constant 2 : i32
    %add3A_150 = arith.addi %select_n3A_106, %add3A_149 : i32
    %mul3A_151 = arith.constant 8 : i32
    %mul3A_152 = arith.muli %add3A_150, %mul3A_151 : i32
    %sub3A_153 = arith.subi %select_n3A_134, %select_n3A_106 : i32
    %gt3A_154 = arith.constant 2 : i32
    %gt3A_155 = arith.cmpi sgt, %sub3A_153, %gt3A_154 : i32
    %add3A_156 = arith.constant 3 : i32
    %add3A_157 = arith.addi %select_n3A_106, %add3A_156 : i32
    %mul3A_158 = arith.constant 8 : i32
    %mul3A_159 = arith.muli %add3A_157, %mul3A_158 : i32
    %sub3A_160 = arith.subi %select_n3A_134, %select_n3A_106 : i32
    %gt3A_161 = arith.constant 3 : i32
    %gt3A_162 = arith.cmpi sgt, %sub3A_160, %gt3A_161 : i32
    %mul3A_163 = arith.constant 25 : i32
    %mul3A_164 = arith.muli %add3A, %mul3A_163 : i32
    %jit3A_165 = arith.constant 32 : i32
    %div3A_166 = arith.divsi %mul3A_164, %jit3A_165 : i32
    %sign3A_167 = arith.constant 0 : i32
    %sign3A_168 = arith.cmpi sgt, %mul3A_164, %sign3A_167 : i32
    %sign3A_169 = arith.extui %sign3A_168 : i1 to i32
    %sign3A_170 = arith.constant 0 : i32
    %sign3A_171 = arith.cmpi slt, %mul3A_164, %sign3A_170 : i32
    %sign3A_172 = arith.extui %sign3A_171 : i1 to i32
    %sign3A_173 = arith.subi %sign3A_169, %sign3A_172 : i32
    %sign3A_174 = arith.constant 0 : i32
    %sign3A_175 = arith.cmpi sgt, %jit3A_165, %sign3A_174 : i32
    %sign3A_176 = arith.extui %sign3A_175 : i1 to i32
    %sign3A_177 = arith.constant 0 : i32
    %sign3A_178 = arith.cmpi slt, %jit3A_165, %sign3A_177 : i32
    %sign3A_179 = arith.extui %sign3A_178 : i1 to i32
    %sign3A_180 = arith.subi %sign3A_176, %sign3A_179 : i32
    %ne3A_181 = arith.cmpi ne, %sign3A_173, %sign3A_180 : i32
    %rem3A_182 = arith.remsi %mul3A_164, %jit3A_165 : i32
    %ne3A_183 = arith.constant 0 : i32
    %ne3A_184 = arith.cmpi ne, %rem3A_182, %ne3A_183 : i32
    %and3A_185 = arith.andi %ne3A_181, %ne3A_184 : i1
    %sub3A_186 = arith.constant 1 : i32
    %sub3A_187 = arith.subi %div3A_166, %sub3A_186 : i32
    %select_n3A_188 = arith.select %and3A_185, %sub3A_187, %div3A_166 : i32
    %add3A_189 = arith.constant 1 : i32
    %add3A_190 = arith.addi %add3A, %add3A_189 : i32
    %mul3A_191 = arith.constant 25 : i32
    %mul3A_192 = arith.muli %add3A_190, %mul3A_191 : i32
    %jit3A_193 = arith.constant 32 : i32
    %div3A_194 = arith.divsi %mul3A_192, %jit3A_193 : i32
    %sign3A_195 = arith.constant 0 : i32
    %sign3A_196 = arith.cmpi sgt, %mul3A_192, %sign3A_195 : i32
    %sign3A_197 = arith.extui %sign3A_196 : i1 to i32
    %sign3A_198 = arith.constant 0 : i32
    %sign3A_199 = arith.cmpi slt, %mul3A_192, %sign3A_198 : i32
    %sign3A_200 = arith.extui %sign3A_199 : i1 to i32
    %sign3A_201 = arith.subi %sign3A_197, %sign3A_200 : i32
    %sign3A_202 = arith.constant 0 : i32
    %sign3A_203 = arith.cmpi sgt, %jit3A_193, %sign3A_202 : i32
    %sign3A_204 = arith.extui %sign3A_203 : i1 to i32
    %sign3A_205 = arith.constant 0 : i32
    %sign3A_206 = arith.cmpi slt, %jit3A_193, %sign3A_205 : i32
    %sign3A_207 = arith.extui %sign3A_206 : i1 to i32
    %sign3A_208 = arith.subi %sign3A_204, %sign3A_207 : i32
    %ne3A_209 = arith.cmpi ne, %sign3A_201, %sign3A_208 : i32
    %rem3A_210 = arith.remsi %mul3A_192, %jit3A_193 : i32
    %ne3A_211 = arith.constant 0 : i32
    %ne3A_212 = arith.cmpi ne, %rem3A_210, %ne3A_211 : i32
    %and3A_213 = arith.andi %ne3A_209, %ne3A_212 : i1
    %sub3A_214 = arith.constant 1 : i32
    %sub3A_215 = arith.subi %div3A_194, %sub3A_214 : i32
    %select_n3A_216 = arith.select %and3A_213, %sub3A_215, %div3A_194 : i32
    %add3A_217 = arith.constant 0 : i32
    %add3A_218 = arith.addi %select_n3A_188, %add3A_217 : i32
    %mul3A_219 = arith.constant 8 : i32
    %mul3A_220 = arith.muli %add3A_218, %mul3A_219 : i32
    %sub3A_221 = arith.subi %select_n3A_216, %select_n3A_188 : i32
    %gt3A_222 = arith.constant 0 : i32
    %gt3A_223 = arith.cmpi sgt, %sub3A_221, %gt3A_222 : i32
    %convert_element_type3A = arith.extui %gt3A_59 : i1 to i32
    %cond3A = arith.constant 0 : i32
    %cond3A_224 = arith.constant 0 : i32
    %cond3A_225 = arith.cmpi ne, %convert_element_type3A, %cond3A_224 : i32
    scf.if %cond3A_225 {
      %dma_start3A = arith.constant 0 : i32
      %dma_start3A_339 = arith.constant 0 : i32
      %dma_start3A_340 = tpu.memref_slice %arg10[%dma_start3A, %dma_start3A_339] : memref<32x256xf32, #tpu.memory_space<vmem>> -> memref<8x256xf32, #tpu.memory_space<vmem>>
      %dma_start3A_341 = arith.constant 0 : i32
      %dma_start3A_342 = tpu.memref_slice %arg2[%select_n3A, %mul3A_57, %dma_start3A_341] : memref<50x1024x256xf32, #tpu.memory_space<hbm>> -> memref<1x8x256xf32, #tpu.memory_space<hbm>>
      %dma_start3A_343 = tpu.memref_squeeze %dma_start3A_342 : memref<1x8x256xf32, #tpu.memory_space<hbm>> -> memref<8x256xf32, #tpu.memory_space<hbm>>
      %dma_start3A_344 = tpu.memref_slice %arg13[%cond3A] : memref<9x!tpu.dma_semaphore, #tpu.memory_space<semaphore_mem>> -> memref<1x!tpu.dma_semaphore, #tpu.memory_space<semaphore_mem>>
      %dma_start3A_345 = tpu.memref_squeeze %dma_start3A_344 : memref<1x!tpu.dma_semaphore, #tpu.memory_space<semaphore_mem>> -> memref<!tpu.dma_semaphore, #tpu.memory_space<semaphore_mem>>
      %dma_start3A_346 = arith.constant 0 : i32
      %dma_start3A_347 = arith.constant 0 : i32
      %dma_start3A_348 = tpu.memref_slice %arg10[%dma_start3A_346, %dma_start3A_347] : memref<32x256xf32, #tpu.memory_space<vmem>> -> memref<8x256xf32, #tpu.memory_space<vmem>>
      %dma_start3A_349 = arith.constant 0 : i32
      %dma_start3A_350 = tpu.memref_slice %arg2[%select_n3A, %mul3A_57, %dma_start3A_349] : memref<50x1024x256xf32, #tpu.memory_space<hbm>> -> memref<1x8x256xf32, #tpu.memory_space<hbm>>
      %dma_start3A_351 = tpu.memref_squeeze %dma_start3A_350 : memref<1x8x256xf32, #tpu.memory_space<hbm>> -> memref<8x256xf32, #tpu.memory_space<hbm>>
      tpu.enqueue_dma source(%dma_start3A_351 : memref<8x256xf32, #tpu.memory_space<hbm>>) target(%dma_start3A_348 : memref<8x256xf32, #tpu.memory_space<vmem>>) target_semaphore(%dma_start3A_345 : memref<!tpu.dma_semaphore, #tpu.memory_space<semaphore_mem>>)
    } else {
    }
    %convert_element_type3A_226 = arith.extui %gt3A_66 : i1 to i32
    %cond3A_227 = arith.constant 1 : i32
    %cond3A_228 = arith.constant 0 : i32
    %cond3A_229 = arith.cmpi ne, %convert_element_type3A_226, %cond3A_228 : i32
    scf.if %cond3A_229 {
      %dma_start3A = arith.constant 8 : i32
      %dma_start3A_339 = arith.constant 0 : i32
      %dma_start3A_340 = tpu.memref_slice %arg10[%dma_start3A, %dma_start3A_339] : memref<32x256xf32, #tpu.memory_space<vmem>> -> memref<8x256xf32, #tpu.memory_space<vmem>>
      %dma_start3A_341 = arith.constant 0 : i32
      %dma_start3A_342 = tpu.memref_slice %arg2[%select_n3A, %mul3A_63, %dma_start3A_341] : memref<50x1024x256xf32, #tpu.memory_space<hbm>> -> memref<1x8x256xf32, #tpu.memory_space<hbm>>
      %dma_start3A_343 = tpu.memref_squeeze %dma_start3A_342 : memref<1x8x256xf32, #tpu.memory_space<hbm>> -> memref<8x256xf32, #tpu.memory_space<hbm>>
      %dma_start3A_344 = tpu.memref_slice %arg13[%cond3A_227] : memref<9x!tpu.dma_semaphore, #tpu.memory_space<semaphore_mem>> -> memref<1x!tpu.dma_semaphore, #tpu.memory_space<semaphore_mem>>
      %dma_start3A_345 = tpu.memref_squeeze %dma_start3A_344 : memref<1x!tpu.dma_semaphore, #tpu.memory_space<semaphore_mem>> -> memref<!tpu.dma_semaphore, #tpu.memory_space<semaphore_mem>>
      %dma_start3A_346 = arith.constant 8 : i32
      %dma_start3A_347 = arith.constant 0 : i32
      %dma_start3A_348 = tpu.memref_slice %arg10[%dma_start3A_346, %dma_start3A_347] : memref<32x256xf32, #tpu.memory_space<vmem>> -> memref<8x256xf32, #tpu.memory_space<vmem>>
      %dma_start3A_349 = arith.constant 0 : i32
      %dma_start3A_350 = tpu.memref_slice %arg2[%select_n3A, %mul3A_63, %dma_start3A_349] : memref<50x1024x256xf32, #tpu.memory_space<hbm>> -> memref<1x8x256xf32, #tpu.memory_space<hbm>>
      %dma_start3A_351 = tpu.memref_squeeze %dma_start3A_350 : memref<1x8x256xf32, #tpu.memory_space<hbm>> -> memref<8x256xf32, #tpu.memory_space<hbm>>
      tpu.enqueue_dma source(%dma_start3A_351 : memref<8x256xf32, #tpu.memory_space<hbm>>) target(%dma_start3A_348 : memref<8x256xf32, #tpu.memory_space<vmem>>) target_semaphore(%dma_start3A_345 : memref<!tpu.dma_semaphore, #tpu.memory_space<semaphore_mem>>)
    } else {
    }
    %convert_element_type3A_230 = arith.extui %gt3A_73 : i1 to i32
    %cond3A_231 = arith.constant 2 : i32
    %cond3A_232 = arith.constant 0 : i32
    %cond3A_233 = arith.cmpi ne, %convert_element_type3A_230, %cond3A_232 : i32
    scf.if %cond3A_233 {
      %dma_start3A = arith.constant 16 : i32
      %dma_start3A_339 = arith.constant 0 : i32
      %dma_start3A_340 = tpu.memref_slice %arg10[%dma_start3A, %dma_start3A_339] : memref<32x256xf32, #tpu.memory_space<vmem>> -> memref<8x256xf32, #tpu.memory_space<vmem>>
      %dma_start3A_341 = arith.constant 0 : i32
      %dma_start3A_342 = tpu.memref_slice %arg2[%select_n3A, %mul3A_70, %dma_start3A_341] : memref<50x1024x256xf32, #tpu.memory_space<hbm>> -> memref<1x8x256xf32, #tpu.memory_space<hbm>>
      %dma_start3A_343 = tpu.memref_squeeze %dma_start3A_342 : memref<1x8x256xf32, #tpu.memory_space<hbm>> -> memref<8x256xf32, #tpu.memory_space<hbm>>
      %dma_start3A_344 = tpu.memref_slice %arg13[%cond3A_231] : memref<9x!tpu.dma_semaphore, #tpu.memory_space<semaphore_mem>> -> memref<1x!tpu.dma_semaphore, #tpu.memory_space<semaphore_mem>>
      %dma_start3A_345 = tpu.memref_squeeze %dma_start3A_344 : memref<1x!tpu.dma_semaphore, #tpu.memory_space<semaphore_mem>> -> memref<!tpu.dma_semaphore, #tpu.memory_space<semaphore_mem>>
      %dma_start3A_346 = arith.constant 16 : i32
      %dma_start3A_347 = arith.constant 0 : i32
      %dma_start3A_348 = tpu.memref_slice %arg10[%dma_start3A_346, %dma_start3A_347] : memref<32x256xf32, #tpu.memory_space<vmem>> -> memref<8x256xf32, #tpu.memory_space<vmem>>
      %dma_start3A_349 = arith.constant 0 : i32
      %dma_start3A_350 = tpu.memref_slice %arg2[%select_n3A, %mul3A_70, %dma_start3A_349] : memref<50x1024x256xf32, #tpu.memory_space<hbm>> -> memref<1x8x256xf32, #tpu.memory_space<hbm>>
      %dma_start3A_351 = tpu.memref_squeeze %dma_start3A_350 : memref<1x8x256xf32, #tpu.memory_space<hbm>> -> memref<8x256xf32, #tpu.memory_space<hbm>>
      tpu.enqueue_dma source(%dma_start3A_351 : memref<8x256xf32, #tpu.memory_space<hbm>>) target(%dma_start3A_348 : memref<8x256xf32, #tpu.memory_space<vmem>>) target_semaphore(%dma_start3A_345 : memref<!tpu.dma_semaphore, #tpu.memory_space<semaphore_mem>>)
    } else {
    }
    %convert_element_type3A_234 = arith.extui %gt3A_80 : i1 to i32
    %cond3A_235 = arith.constant 3 : i32
    %cond3A_236 = arith.constant 0 : i32
    %cond3A_237 = arith.cmpi ne, %convert_element_type3A_234, %cond3A_236 : i32
    scf.if %cond3A_237 {
      %dma_start3A = arith.constant 24 : i32
      %dma_start3A_339 = arith.constant 0 : i32
      %dma_start3A_340 = tpu.memref_slice %arg10[%dma_start3A, %dma_start3A_339] : memref<32x256xf32, #tpu.memory_space<vmem>> -> memref<8x256xf32, #tpu.memory_space<vmem>>
      %dma_start3A_341 = arith.constant 0 : i32
      %dma_start3A_342 = tpu.memref_slice %arg2[%select_n3A, %mul3A_77, %dma_start3A_341] : memref<50x1024x256xf32, #tpu.memory_space<hbm>> -> memref<1x8x256xf32, #tpu.memory_space<hbm>>
      %dma_start3A_343 = tpu.memref_squeeze %dma_start3A_342 : memref<1x8x256xf32, #tpu.memory_space<hbm>> -> memref<8x256xf32, #tpu.memory_space<hbm>>
      %dma_start3A_344 = tpu.memref_slice %arg13[%cond3A_235] : memref<9x!tpu.dma_semaphore, #tpu.memory_space<semaphore_mem>> -> memref<1x!tpu.dma_semaphore, #tpu.memory_space<semaphore_mem>>
      %dma_start3A_345 = tpu.memref_squeeze %dma_start3A_344 : memref<1x!tpu.dma_semaphore, #tpu.memory_space<semaphore_mem>> -> memref<!tpu.dma_semaphore, #tpu.memory_space<semaphore_mem>>
      %dma_start3A_346 = arith.constant 24 : i32
      %dma_start3A_347 = arith.constant 0 : i32
      %dma_start3A_348 = tpu.memref_slice %arg10[%dma_start3A_346, %dma_start3A_347] : memref<32x256xf32, #tpu.memory_space<vmem>> -> memref<8x256xf32, #tpu.memory_space<vmem>>
      %dma_start3A_349 = arith.constant 0 : i32
      %dma_start3A_350 = tpu.memref_slice %arg2[%select_n3A, %mul3A_77, %dma_start3A_349] : memref<50x1024x256xf32, #tpu.memory_space<hbm>> -> memref<1x8x256xf32, #tpu.memory_space<hbm>>
      %dma_start3A_351 = tpu.memref_squeeze %dma_start3A_350 : memref<1x8x256xf32, #tpu.memory_space<hbm>> -> memref<8x256xf32, #tpu.memory_space<hbm>>
      tpu.enqueue_dma source(%dma_start3A_351 : memref<8x256xf32, #tpu.memory_space<hbm>>) target(%dma_start3A_348 : memref<8x256xf32, #tpu.memory_space<vmem>>) target_semaphore(%dma_start3A_345 : memref<!tpu.dma_semaphore, #tpu.memory_space<semaphore_mem>>)
    } else {
    }
    %convert_element_type3A_238 = arith.extui %gt3A_141 : i1 to i32
    %cond3A_239 = arith.constant 4 : i32
    %cond3A_240 = arith.constant 0 : i32
    %cond3A_241 = arith.cmpi ne, %convert_element_type3A_238, %cond3A_240 : i32
    scf.if %cond3A_241 {
      %dma_start3A = arith.constant 0 : i32
      %dma_start3A_339 = arith.constant 0 : i32
      %dma_start3A_340 = tpu.memref_slice %arg11[%dma_start3A, %dma_start3A_339] : memref<32x1024xf32, #tpu.memory_space<vmem>> -> memref<8x1024xf32, #tpu.memory_space<vmem>>
      %dma_start3A_341 = arith.constant 0 : i32
      %dma_start3A_342 = tpu.memref_slice %arg3[%select_n3A, %mul3A_138, %dma_start3A_341] : memref<50x1000x1024xf32, #tpu.memory_space<hbm>> -> memref<1x8x1024xf32, #tpu.memory_space<hbm>>
      %dma_start3A_343 = tpu.memref_squeeze %dma_start3A_342 : memref<1x8x1024xf32, #tpu.memory_space<hbm>> -> memref<8x1024xf32, #tpu.memory_space<hbm>>
      %dma_start3A_344 = tpu.memref_slice %arg13[%cond3A_239] : memref<9x!tpu.dma_semaphore, #tpu.memory_space<semaphore_mem>> -> memref<1x!tpu.dma_semaphore, #tpu.memory_space<semaphore_mem>>
      %dma_start3A_345 = tpu.memref_squeeze %dma_start3A_344 : memref<1x!tpu.dma_semaphore, #tpu.memory_space<semaphore_mem>> -> memref<!tpu.dma_semaphore, #tpu.memory_space<semaphore_mem>>
      %dma_start3A_346 = arith.constant 0 : i32
      %dma_start3A_347 = arith.constant 0 : i32
      %dma_start3A_348 = tpu.memref_slice %arg11[%dma_start3A_346, %dma_start3A_347] : memref<32x1024xf32, #tpu.memory_space<vmem>> -> memref<8x1024xf32, #tpu.memory_space<vmem>>
      %dma_start3A_349 = arith.constant 0 : i32
      %dma_start3A_350 = tpu.memref_slice %arg3[%select_n3A, %mul3A_138, %dma_start3A_349] : memref<50x1000x1024xf32, #tpu.memory_space<hbm>> -> memref<1x8x1024xf32, #tpu.memory_space<hbm>>
      %dma_start3A_351 = tpu.memref_squeeze %dma_start3A_350 : memref<1x8x1024xf32, #tpu.memory_space<hbm>> -> memref<8x1024xf32, #tpu.memory_space<hbm>>
      tpu.enqueue_dma source(%dma_start3A_351 : memref<8x1024xf32, #tpu.memory_space<hbm>>) target(%dma_start3A_348 : memref<8x1024xf32, #tpu.memory_space<vmem>>) target_semaphore(%dma_start3A_345 : memref<!tpu.dma_semaphore, #tpu.memory_space<semaphore_mem>>)
    } else {
    }
    %convert_element_type3A_242 = arith.extui %gt3A_148 : i1 to i32
    %cond3A_243 = arith.constant 5 : i32
    %cond3A_244 = arith.constant 0 : i32
    %cond3A_245 = arith.cmpi ne, %convert_element_type3A_242, %cond3A_244 : i32
    scf.if %cond3A_245 {
      %dma_start3A = arith.constant 8 : i32
      %dma_start3A_339 = arith.constant 0 : i32
      %dma_start3A_340 = tpu.memref_slice %arg11[%dma_start3A, %dma_start3A_339] : memref<32x1024xf32, #tpu.memory_space<vmem>> -> memref<8x1024xf32, #tpu.memory_space<vmem>>
      %dma_start3A_341 = arith.constant 0 : i32
      %dma_start3A_342 = tpu.memref_slice %arg3[%select_n3A, %mul3A_145, %dma_start3A_341] : memref<50x1000x1024xf32, #tpu.memory_space<hbm>> -> memref<1x8x1024xf32, #tpu.memory_space<hbm>>
      %dma_start3A_343 = tpu.memref_squeeze %dma_start3A_342 : memref<1x8x1024xf32, #tpu.memory_space<hbm>> -> memref<8x1024xf32, #tpu.memory_space<hbm>>
      %dma_start3A_344 = tpu.memref_slice %arg13[%cond3A_243] : memref<9x!tpu.dma_semaphore, #tpu.memory_space<semaphore_mem>> -> memref<1x!tpu.dma_semaphore, #tpu.memory_space<semaphore_mem>>
      %dma_start3A_345 = tpu.memref_squeeze %dma_start3A_344 : memref<1x!tpu.dma_semaphore, #tpu.memory_space<semaphore_mem>> -> memref<!tpu.dma_semaphore, #tpu.memory_space<semaphore_mem>>
      %dma_start3A_346 = arith.constant 8 : i32
      %dma_start3A_347 = arith.constant 0 : i32
      %dma_start3A_348 = tpu.memref_slice %arg11[%dma_start3A_346, %dma_start3A_347] : memref<32x1024xf32, #tpu.memory_space<vmem>> -> memref<8x1024xf32, #tpu.memory_space<vmem>>
      %dma_start3A_349 = arith.constant 0 : i32
      %dma_start3A_350 = tpu.memref_slice %arg3[%select_n3A, %mul3A_145, %dma_start3A_349] : memref<50x1000x1024xf32, #tpu.memory_space<hbm>> -> memref<1x8x1024xf32, #tpu.memory_space<hbm>>
      %dma_start3A_351 = tpu.memref_squeeze %dma_start3A_350 : memref<1x8x1024xf32, #tpu.memory_space<hbm>> -> memref<8x1024xf32, #tpu.memory_space<hbm>>
      tpu.enqueue_dma source(%dma_start3A_351 : memref<8x1024xf32, #tpu.memory_space<hbm>>) target(%dma_start3A_348 : memref<8x1024xf32, #tpu.memory_space<vmem>>) target_semaphore(%dma_start3A_345 : memref<!tpu.dma_semaphore, #tpu.memory_space<semaphore_mem>>)
    } else {
    }
    %convert_element_type3A_246 = arith.extui %gt3A_155 : i1 to i32
    %cond3A_247 = arith.constant 6 : i32
    %cond3A_248 = arith.constant 0 : i32
    %cond3A_249 = arith.cmpi ne, %convert_element_type3A_246, %cond3A_248 : i32
    scf.if %cond3A_249 {
      %dma_start3A = arith.constant 16 : i32
      %dma_start3A_339 = arith.constant 0 : i32
      %dma_start3A_340 = tpu.memref_slice %arg11[%dma_start3A, %dma_start3A_339] : memref<32x1024xf32, #tpu.memory_space<vmem>> -> memref<8x1024xf32, #tpu.memory_space<vmem>>
      %dma_start3A_341 = arith.constant 0 : i32
      %dma_start3A_342 = tpu.memref_slice %arg3[%select_n3A, %mul3A_152, %dma_start3A_341] : memref<50x1000x1024xf32, #tpu.memory_space<hbm>> -> memref<1x8x1024xf32, #tpu.memory_space<hbm>>
      %dma_start3A_343 = tpu.memref_squeeze %dma_start3A_342 : memref<1x8x1024xf32, #tpu.memory_space<hbm>> -> memref<8x1024xf32, #tpu.memory_space<hbm>>
      %dma_start3A_344 = tpu.memref_slice %arg13[%cond3A_247] : memref<9x!tpu.dma_semaphore, #tpu.memory_space<semaphore_mem>> -> memref<1x!tpu.dma_semaphore, #tpu.memory_space<semaphore_mem>>
      %dma_start3A_345 = tpu.memref_squeeze %dma_start3A_344 : memref<1x!tpu.dma_semaphore, #tpu.memory_space<semaphore_mem>> -> memref<!tpu.dma_semaphore, #tpu.memory_space<semaphore_mem>>
      %dma_start3A_346 = arith.constant 16 : i32
      %dma_start3A_347 = arith.constant 0 : i32
      %dma_start3A_348 = tpu.memref_slice %arg11[%dma_start3A_346, %dma_start3A_347] : memref<32x1024xf32, #tpu.memory_space<vmem>> -> memref<8x1024xf32, #tpu.memory_space<vmem>>
      %dma_start3A_349 = arith.constant 0 : i32
      %dma_start3A_350 = tpu.memref_slice %arg3[%select_n3A, %mul3A_152, %dma_start3A_349] : memref<50x1000x1024xf32, #tpu.memory_space<hbm>> -> memref<1x8x1024xf32, #tpu.memory_space<hbm>>
      %dma_start3A_351 = tpu.memref_squeeze %dma_start3A_350 : memref<1x8x1024xf32, #tpu.memory_space<hbm>> -> memref<8x1024xf32, #tpu.memory_space<hbm>>
      tpu.enqueue_dma source(%dma_start3A_351 : memref<8x1024xf32, #tpu.memory_space<hbm>>) target(%dma_start3A_348 : memref<8x1024xf32, #tpu.memory_space<vmem>>) target_semaphore(%dma_start3A_345 : memref<!tpu.dma_semaphore, #tpu.memory_space<semaphore_mem>>)
    } else {
    }
    %convert_element_type3A_250 = arith.extui %gt3A_162 : i1 to i32
    %cond3A_251 = arith.constant 7 : i32
    %cond3A_252 = arith.constant 0 : i32
    %cond3A_253 = arith.cmpi ne, %convert_element_type3A_250, %cond3A_252 : i32
    scf.if %cond3A_253 {
      %dma_start3A = arith.constant 24 : i32
      %dma_start3A_339 = arith.constant 0 : i32
      %dma_start3A_340 = tpu.memref_slice %arg11[%dma_start3A, %dma_start3A_339] : memref<32x1024xf32, #tpu.memory_space<vmem>> -> memref<8x1024xf32, #tpu.memory_space<vmem>>
      %dma_start3A_341 = arith.constant 0 : i32
      %dma_start3A_342 = tpu.memref_slice %arg3[%select_n3A, %mul3A_159, %dma_start3A_341] : memref<50x1000x1024xf32, #tpu.memory_space<hbm>> -> memref<1x8x1024xf32, #tpu.memory_space<hbm>>
      %dma_start3A_343 = tpu.memref_squeeze %dma_start3A_342 : memref<1x8x1024xf32, #tpu.memory_space<hbm>> -> memref<8x1024xf32, #tpu.memory_space<hbm>>
      %dma_start3A_344 = tpu.memref_slice %arg13[%cond3A_251] : memref<9x!tpu.dma_semaphore, #tpu.memory_space<semaphore_mem>> -> memref<1x!tpu.dma_semaphore, #tpu.memory_space<semaphore_mem>>
      %dma_start3A_345 = tpu.memref_squeeze %dma_start3A_344 : memref<1x!tpu.dma_semaphore, #tpu.memory_space<semaphore_mem>> -> memref<!tpu.dma_semaphore, #tpu.memory_space<semaphore_mem>>
      %dma_start3A_346 = arith.constant 24 : i32
      %dma_start3A_347 = arith.constant 0 : i32
      %dma_start3A_348 = tpu.memref_slice %arg11[%dma_start3A_346, %dma_start3A_347] : memref<32x1024xf32, #tpu.memory_space<vmem>> -> memref<8x1024xf32, #tpu.memory_space<vmem>>
      %dma_start3A_349 = arith.constant 0 : i32
      %dma_start3A_350 = tpu.memref_slice %arg3[%select_n3A, %mul3A_159, %dma_start3A_349] : memref<50x1000x1024xf32, #tpu.memory_space<hbm>> -> memref<1x8x1024xf32, #tpu.memory_space<hbm>>
      %dma_start3A_351 = tpu.memref_squeeze %dma_start3A_350 : memref<1x8x1024xf32, #tpu.memory_space<hbm>> -> memref<8x1024xf32, #tpu.memory_space<hbm>>
      tpu.enqueue_dma source(%dma_start3A_351 : memref<8x1024xf32, #tpu.memory_space<hbm>>) target(%dma_start3A_348 : memref<8x1024xf32, #tpu.memory_space<vmem>>) target_semaphore(%dma_start3A_345 : memref<!tpu.dma_semaphore, #tpu.memory_space<semaphore_mem>>)
    } else {
    }
    %convert_element_type3A_254 = arith.extui %gt3A_223 : i1 to i32
    %cond3A_255 = arith.constant 8 : i32
    %cond3A_256 = arith.constant 0 : i32
    %cond3A_257 = arith.cmpi ne, %convert_element_type3A_254, %cond3A_256 : i32
    scf.if %cond3A_257 {
      %dma_start3A = arith.constant 0 : i32
      %dma_start3A_339 = arith.constant 0 : i32
      %dma_start3A_340 = tpu.memref_slice %arg12[%dma_start3A, %dma_start3A_339] : memref<8x1024xf32, #tpu.memory_space<vmem>> -> memref<8x1024xf32, #tpu.memory_space<vmem>>
      %dma_start3A_341 = arith.constant 0 : i32
      %dma_start3A_342 = tpu.memref_slice %arg4[%select_n3A, %mul3A_220, %dma_start3A_341] : memref<50x200x1024xf32, #tpu.memory_space<hbm>> -> memref<1x8x1024xf32, #tpu.memory_space<hbm>>
      %dma_start3A_343 = tpu.memref_squeeze %dma_start3A_342 : memref<1x8x1024xf32, #tpu.memory_space<hbm>> -> memref<8x1024xf32, #tpu.memory_space<hbm>>
      %dma_start3A_344 = tpu.memref_slice %arg13[%cond3A_255] : memref<9x!tpu.dma_semaphore, #tpu.memory_space<semaphore_mem>> -> memref<1x!tpu.dma_semaphore, #tpu.memory_space<semaphore_mem>>
      %dma_start3A_345 = tpu.memref_squeeze %dma_start3A_344 : memref<1x!tpu.dma_semaphore, #tpu.memory_space<semaphore_mem>> -> memref<!tpu.dma_semaphore, #tpu.memory_space<semaphore_mem>>
      %dma_start3A_346 = arith.constant 0 : i32
      %dma_start3A_347 = arith.constant 0 : i32
      %dma_start3A_348 = tpu.memref_slice %arg12[%dma_start3A_346, %dma_start3A_347] : memref<8x1024xf32, #tpu.memory_space<vmem>> -> memref<8x1024xf32, #tpu.memory_space<vmem>>
      %dma_start3A_349 = arith.constant 0 : i32
      %dma_start3A_350 = tpu.memref_slice %arg4[%select_n3A, %mul3A_220, %dma_start3A_349] : memref<50x200x1024xf32, #tpu.memory_space<hbm>> -> memref<1x8x1024xf32, #tpu.memory_space<hbm>>
      %dma_start3A_351 = tpu.memref_squeeze %dma_start3A_350 : memref<1x8x1024xf32, #tpu.memory_space<hbm>> -> memref<8x1024xf32, #tpu.memory_space<hbm>>
      tpu.enqueue_dma source(%dma_start3A_351 : memref<8x1024xf32, #tpu.memory_space<hbm>>) target(%dma_start3A_348 : memref<8x1024xf32, #tpu.memory_space<vmem>>) target_semaphore(%dma_start3A_345 : memref<!tpu.dma_semaphore, #tpu.memory_space<semaphore_mem>>)
    } else {
    }
    %convert_element_type3A_258 = arith.extui %gt3A_59 : i1 to i32
    %cond3A_259 = arith.constant 0 : i32
    %cond3A_260 = arith.constant 0 : i32
    %cond3A_261 = arith.constant 0 : i32
    %cond3A_262 = arith.cmpi ne, %convert_element_type3A_258, %cond3A_261 : i32
    scf.if %cond3A_262 {
      %dma_wait3A = arith.constant 0 : i32
      %dma_wait3A_339 = arith.constant 0 : i32
      %dma_wait3A_340 = tpu.memref_slice %arg10[%dma_wait3A, %dma_wait3A_339] : memref<32x256xf32, #tpu.memory_space<vmem>> -> memref<8x256xf32, #tpu.memory_space<vmem>>
      %dma_wait3A_341 = arith.constant 0 : i32
      %dma_wait3A_342 = tpu.memref_slice %arg2[%select_n3A, %mul3A_57, %dma_wait3A_341] : memref<50x1024x256xf32, #tpu.memory_space<hbm>> -> memref<1x8x256xf32, #tpu.memory_space<hbm>>
      %dma_wait3A_343 = tpu.memref_squeeze %dma_wait3A_342 : memref<1x8x256xf32, #tpu.memory_space<hbm>> -> memref<8x256xf32, #tpu.memory_space<hbm>>
      %dma_wait3A_344 = tpu.memref_slice %arg13[%cond3A_259] : memref<9x!tpu.dma_semaphore, #tpu.memory_space<semaphore_mem>> -> memref<1x!tpu.dma_semaphore, #tpu.memory_space<semaphore_mem>>
      %dma_wait3A_345 = tpu.memref_squeeze %dma_wait3A_344 : memref<1x!tpu.dma_semaphore, #tpu.memory_space<semaphore_mem>> -> memref<!tpu.dma_semaphore, #tpu.memory_space<semaphore_mem>>
      %dma_wait3A_346 = arith.constant 0 : i32
      %dma_wait3A_347 = arith.constant 0 : i32
      %dma_wait3A_348 = tpu.memref_slice %arg10[%dma_wait3A_346, %dma_wait3A_347] : memref<32x256xf32, #tpu.memory_space<vmem>> -> memref<8x256xf32, #tpu.memory_space<vmem>>
      %dma_wait3A_349 = arith.constant 0 : i32
      %dma_wait3A_350 = tpu.memref_slice %arg2[%select_n3A, %mul3A_57, %dma_wait3A_349] : memref<50x1024x256xf32, #tpu.memory_space<hbm>> -> memref<1x8x256xf32, #tpu.memory_space<hbm>>
      %dma_wait3A_351 = tpu.memref_squeeze %dma_wait3A_350 : memref<1x8x256xf32, #tpu.memory_space<hbm>> -> memref<8x256xf32, #tpu.memory_space<hbm>>
      tpu.wait_dma2 semaphore(%dma_wait3A_345 : memref<!tpu.dma_semaphore, #tpu.memory_space<semaphore_mem>>) src(%dma_wait3A_351 : memref<8x256xf32, #tpu.memory_space<hbm>>) dst(%dma_wait3A_348 : memref<8x256xf32, #tpu.memory_space<vmem>>)
      %dma_start3A = arith.constant 0 : i32
      %dma_start3A_352 = arith.constant 0 : i32
      %dma_start3A_353 = tpu.memref_slice %arg10[%dma_start3A, %dma_start3A_352] : memref<32x256xf32, #tpu.memory_space<vmem>> -> memref<8x256xf32, #tpu.memory_space<vmem>>
      %dma_start3A_354 = arith.constant 0 : i32
      %dma_start3A_355 = tpu.memref_slice %arg6[%mul3A_57, %dma_start3A_354] : memref<1024x256xf32, #tpu.memory_space<hbm>> -> memref<8x256xf32, #tpu.memory_space<hbm>>
      %dma_start3A_356 = tpu.memref_slice %arg14[%cond3A_260] : memref<9x!tpu.dma_semaphore, #tpu.memory_space<semaphore_mem>> -> memref<1x!tpu.dma_semaphore, #tpu.memory_space<semaphore_mem>>
      %dma_start3A_357 = tpu.memref_squeeze %dma_start3A_356 : memref<1x!tpu.dma_semaphore, #tpu.memory_space<semaphore_mem>> -> memref<!tpu.dma_semaphore, #tpu.memory_space<semaphore_mem>>
      %dma_start3A_358 = arith.constant 0 : i32
      %dma_start3A_359 = tpu.memref_slice %arg6[%mul3A_57, %dma_start3A_358] : memref<1024x256xf32, #tpu.memory_space<hbm>> -> memref<8x256xf32, #tpu.memory_space<hbm>>
      %dma_start3A_360 = arith.constant 0 : i32
      %dma_start3A_361 = arith.constant 0 : i32
      %dma_start3A_362 = tpu.memref_slice %arg10[%dma_start3A_360, %dma_start3A_361] : memref<32x256xf32, #tpu.memory_space<vmem>> -> memref<8x256xf32, #tpu.memory_space<vmem>>
      tpu.enqueue_dma source(%dma_start3A_362 : memref<8x256xf32, #tpu.memory_space<vmem>>) target(%dma_start3A_359 : memref<8x256xf32, #tpu.memory_space<hbm>>) target_semaphore(%dma_start3A_357 : memref<!tpu.dma_semaphore, #tpu.memory_space<semaphore_mem>>)
    } else {
    }
    %convert_element_type3A_263 = arith.extui %gt3A_66 : i1 to i32
    %cond3A_264 = arith.constant 1 : i32
    %cond3A_265 = arith.constant 1 : i32
    %cond3A_266 = arith.constant 0 : i32
    %cond3A_267 = arith.cmpi ne, %convert_element_type3A_263, %cond3A_266 : i32
    scf.if %cond3A_267 {
      %dma_wait3A = arith.constant 8 : i32
      %dma_wait3A_339 = arith.constant 0 : i32
      %dma_wait3A_340 = tpu.memref_slice %arg10[%dma_wait3A, %dma_wait3A_339] : memref<32x256xf32, #tpu.memory_space<vmem>> -> memref<8x256xf32, #tpu.memory_space<vmem>>
      %dma_wait3A_341 = arith.constant 0 : i32
      %dma_wait3A_342 = tpu.memref_slice %arg2[%select_n3A, %mul3A_63, %dma_wait3A_341] : memref<50x1024x256xf32, #tpu.memory_space<hbm>> -> memref<1x8x256xf32, #tpu.memory_space<hbm>>
      %dma_wait3A_343 = tpu.memref_squeeze %dma_wait3A_342 : memref<1x8x256xf32, #tpu.memory_space<hbm>> -> memref<8x256xf32, #tpu.memory_space<hbm>>
      %dma_wait3A_344 = tpu.memref_slice %arg13[%cond3A_264] : memref<9x!tpu.dma_semaphore, #tpu.memory_space<semaphore_mem>> -> memref<1x!tpu.dma_semaphore, #tpu.memory_space<semaphore_mem>>
      %dma_wait3A_345 = tpu.memref_squeeze %dma_wait3A_344 : memref<1x!tpu.dma_semaphore, #tpu.memory_space<semaphore_mem>> -> memref<!tpu.dma_semaphore, #tpu.memory_space<semaphore_mem>>
      %dma_wait3A_346 = arith.constant 8 : i32
      %dma_wait3A_347 = arith.constant 0 : i32
      %dma_wait3A_348 = tpu.memref_slice %arg10[%dma_wait3A_346, %dma_wait3A_347] : memref<32x256xf32, #tpu.memory_space<vmem>> -> memref<8x256xf32, #tpu.memory_space<vmem>>
      %dma_wait3A_349 = arith.constant 0 : i32
      %dma_wait3A_350 = tpu.memref_slice %arg2[%select_n3A, %mul3A_63, %dma_wait3A_349] : memref<50x1024x256xf32, #tpu.memory_space<hbm>> -> memref<1x8x256xf32, #tpu.memory_space<hbm>>
      %dma_wait3A_351 = tpu.memref_squeeze %dma_wait3A_350 : memref<1x8x256xf32, #tpu.memory_space<hbm>> -> memref<8x256xf32, #tpu.memory_space<hbm>>
      tpu.wait_dma2 semaphore(%dma_wait3A_345 : memref<!tpu.dma_semaphore, #tpu.memory_space<semaphore_mem>>) src(%dma_wait3A_351 : memref<8x256xf32, #tpu.memory_space<hbm>>) dst(%dma_wait3A_348 : memref<8x256xf32, #tpu.memory_space<vmem>>)
      %dma_start3A = arith.constant 8 : i32
      %dma_start3A_352 = arith.constant 0 : i32
      %dma_start3A_353 = tpu.memref_slice %arg10[%dma_start3A, %dma_start3A_352] : memref<32x256xf32, #tpu.memory_space<vmem>> -> memref<8x256xf32, #tpu.memory_space<vmem>>
      %dma_start3A_354 = arith.constant 0 : i32
      %dma_start3A_355 = tpu.memref_slice %arg6[%mul3A_63, %dma_start3A_354] : memref<1024x256xf32, #tpu.memory_space<hbm>> -> memref<8x256xf32, #tpu.memory_space<hbm>>
      %dma_start3A_356 = tpu.memref_slice %arg14[%cond3A_265] : memref<9x!tpu.dma_semaphore, #tpu.memory_space<semaphore_mem>> -> memref<1x!tpu.dma_semaphore, #tpu.memory_space<semaphore_mem>>
      %dma_start3A_357 = tpu.memref_squeeze %dma_start3A_356 : memref<1x!tpu.dma_semaphore, #tpu.memory_space<semaphore_mem>> -> memref<!tpu.dma_semaphore, #tpu.memory_space<semaphore_mem>>
      %dma_start3A_358 = arith.constant 0 : i32
      %dma_start3A_359 = tpu.memref_slice %arg6[%mul3A_63, %dma_start3A_358] : memref<1024x256xf32, #tpu.memory_space<hbm>> -> memref<8x256xf32, #tpu.memory_space<hbm>>
      %dma_start3A_360 = arith.constant 8 : i32
      %dma_start3A_361 = arith.constant 0 : i32
      %dma_start3A_362 = tpu.memref_slice %arg10[%dma_start3A_360, %dma_start3A_361] : memref<32x256xf32, #tpu.memory_space<vmem>> -> memref<8x256xf32, #tpu.memory_space<vmem>>
      tpu.enqueue_dma source(%dma_start3A_362 : memref<8x256xf32, #tpu.memory_space<vmem>>) target(%dma_start3A_359 : memref<8x256xf32, #tpu.memory_space<hbm>>) target_semaphore(%dma_start3A_357 : memref<!tpu.dma_semaphore, #tpu.memory_space<semaphore_mem>>)
    } else {
    }
    %convert_element_type3A_268 = arith.extui %gt3A_73 : i1 to i32
    %cond3A_269 = arith.constant 2 : i32
    %cond3A_270 = arith.constant 2 : i32
    %cond3A_271 = arith.constant 0 : i32
    %cond3A_272 = arith.cmpi ne, %convert_element_type3A_268, %cond3A_271 : i32
    scf.if %cond3A_272 {
      %dma_wait3A = arith.constant 16 : i32
      %dma_wait3A_339 = arith.constant 0 : i32
      %dma_wait3A_340 = tpu.memref_slice %arg10[%dma_wait3A, %dma_wait3A_339] : memref<32x256xf32, #tpu.memory_space<vmem>> -> memref<8x256xf32, #tpu.memory_space<vmem>>
      %dma_wait3A_341 = arith.constant 0 : i32
      %dma_wait3A_342 = tpu.memref_slice %arg2[%select_n3A, %mul3A_70, %dma_wait3A_341] : memref<50x1024x256xf32, #tpu.memory_space<hbm>> -> memref<1x8x256xf32, #tpu.memory_space<hbm>>
      %dma_wait3A_343 = tpu.memref_squeeze %dma_wait3A_342 : memref<1x8x256xf32, #tpu.memory_space<hbm>> -> memref<8x256xf32, #tpu.memory_space<hbm>>
      %dma_wait3A_344 = tpu.memref_slice %arg13[%cond3A_269] : memref<9x!tpu.dma_semaphore, #tpu.memory_space<semaphore_mem>> -> memref<1x!tpu.dma_semaphore, #tpu.memory_space<semaphore_mem>>
      %dma_wait3A_345 = tpu.memref_squeeze %dma_wait3A_344 : memref<1x!tpu.dma_semaphore, #tpu.memory_space<semaphore_mem>> -> memref<!tpu.dma_semaphore, #tpu.memory_space<semaphore_mem>>
      %dma_wait3A_346 = arith.constant 16 : i32
      %dma_wait3A_347 = arith.constant 0 : i32
      %dma_wait3A_348 = tpu.memref_slice %arg10[%dma_wait3A_346, %dma_wait3A_347] : memref<32x256xf32, #tpu.memory_space<vmem>> -> memref<8x256xf32, #tpu.memory_space<vmem>>
      %dma_wait3A_349 = arith.constant 0 : i32
      %dma_wait3A_350 = tpu.memref_slice %arg2[%select_n3A, %mul3A_70, %dma_wait3A_349] : memref<50x1024x256xf32, #tpu.memory_space<hbm>> -> memref<1x8x256xf32, #tpu.memory_space<hbm>>
      %dma_wait3A_351 = tpu.memref_squeeze %dma_wait3A_350 : memref<1x8x256xf32, #tpu.memory_space<hbm>> -> memref<8x256xf32, #tpu.memory_space<hbm>>
      tpu.wait_dma2 semaphore(%dma_wait3A_345 : memref<!tpu.dma_semaphore, #tpu.memory_space<semaphore_mem>>) src(%dma_wait3A_351 : memref<8x256xf32, #tpu.memory_space<hbm>>) dst(%dma_wait3A_348 : memref<8x256xf32, #tpu.memory_space<vmem>>)
      %dma_start3A = arith.constant 16 : i32
      %dma_start3A_352 = arith.constant 0 : i32
      %dma_start3A_353 = tpu.memref_slice %arg10[%dma_start3A, %dma_start3A_352] : memref<32x256xf32, #tpu.memory_space<vmem>> -> memref<8x256xf32, #tpu.memory_space<vmem>>
      %dma_start3A_354 = arith.constant 0 : i32
      %dma_start3A_355 = tpu.memref_slice %arg6[%mul3A_70, %dma_start3A_354] : memref<1024x256xf32, #tpu.memory_space<hbm>> -> memref<8x256xf32, #tpu.memory_space<hbm>>
      %dma_start3A_356 = tpu.memref_slice %arg14[%cond3A_270] : memref<9x!tpu.dma_semaphore, #tpu.memory_space<semaphore_mem>> -> memref<1x!tpu.dma_semaphore, #tpu.memory_space<semaphore_mem>>
      %dma_start3A_357 = tpu.memref_squeeze %dma_start3A_356 : memref<1x!tpu.dma_semaphore, #tpu.memory_space<semaphore_mem>> -> memref<!tpu.dma_semaphore, #tpu.memory_space<semaphore_mem>>
      %dma_start3A_358 = arith.constant 0 : i32
      %dma_start3A_359 = tpu.memref_slice %arg6[%mul3A_70, %dma_start3A_358] : memref<1024x256xf32, #tpu.memory_space<hbm>> -> memref<8x256xf32, #tpu.memory_space<hbm>>
      %dma_start3A_360 = arith.constant 16 : i32
      %dma_start3A_361 = arith.constant 0 : i32
      %dma_start3A_362 = tpu.memref_slice %arg10[%dma_start3A_360, %dma_start3A_361] : memref<32x256xf32, #tpu.memory_space<vmem>> -> memref<8x256xf32, #tpu.memory_space<vmem>>
      tpu.enqueue_dma source(%dma_start3A_362 : memref<8x256xf32, #tpu.memory_space<vmem>>) target(%dma_start3A_359 : memref<8x256xf32, #tpu.memory_space<hbm>>) target_semaphore(%dma_start3A_357 : memref<!tpu.dma_semaphore, #tpu.memory_space<semaphore_mem>>)
    } else {
    }
    %convert_element_type3A_273 = arith.extui %gt3A_80 : i1 to i32
    %cond3A_274 = arith.constant 3 : i32
    %cond3A_275 = arith.constant 3 : i32
    %cond3A_276 = arith.constant 0 : i32
    %cond3A_277 = arith.cmpi ne, %convert_element_type3A_273, %cond3A_276 : i32
    scf.if %cond3A_277 {
      %dma_wait3A = arith.constant 24 : i32
      %dma_wait3A_339 = arith.constant 0 : i32
      %dma_wait3A_340 = tpu.memref_slice %arg10[%dma_wait3A, %dma_wait3A_339] : memref<32x256xf32, #tpu.memory_space<vmem>> -> memref<8x256xf32, #tpu.memory_space<vmem>>
      %dma_wait3A_341 = arith.constant 0 : i32
      %dma_wait3A_342 = tpu.memref_slice %arg2[%select_n3A, %mul3A_77, %dma_wait3A_341] : memref<50x1024x256xf32, #tpu.memory_space<hbm>> -> memref<1x8x256xf32, #tpu.memory_space<hbm>>
      %dma_wait3A_343 = tpu.memref_squeeze %dma_wait3A_342 : memref<1x8x256xf32, #tpu.memory_space<hbm>> -> memref<8x256xf32, #tpu.memory_space<hbm>>
      %dma_wait3A_344 = tpu.memref_slice %arg13[%cond3A_274] : memref<9x!tpu.dma_semaphore, #tpu.memory_space<semaphore_mem>> -> memref<1x!tpu.dma_semaphore, #tpu.memory_space<semaphore_mem>>
      %dma_wait3A_345 = tpu.memref_squeeze %dma_wait3A_344 : memref<1x!tpu.dma_semaphore, #tpu.memory_space<semaphore_mem>> -> memref<!tpu.dma_semaphore, #tpu.memory_space<semaphore_mem>>
      %dma_wait3A_346 = arith.constant 24 : i32
      %dma_wait3A_347 = arith.constant 0 : i32
      %dma_wait3A_348 = tpu.memref_slice %arg10[%dma_wait3A_346, %dma_wait3A_347] : memref<32x256xf32, #tpu.memory_space<vmem>> -> memref<8x256xf32, #tpu.memory_space<vmem>>
      %dma_wait3A_349 = arith.constant 0 : i32
      %dma_wait3A_350 = tpu.memref_slice %arg2[%select_n3A, %mul3A_77, %dma_wait3A_349] : memref<50x1024x256xf32, #tpu.memory_space<hbm>> -> memref<1x8x256xf32, #tpu.memory_space<hbm>>
      %dma_wait3A_351 = tpu.memref_squeeze %dma_wait3A_350 : memref<1x8x256xf32, #tpu.memory_space<hbm>> -> memref<8x256xf32, #tpu.memory_space<hbm>>
      tpu.wait_dma2 semaphore(%dma_wait3A_345 : memref<!tpu.dma_semaphore, #tpu.memory_space<semaphore_mem>>) src(%dma_wait3A_351 : memref<8x256xf32, #tpu.memory_space<hbm>>) dst(%dma_wait3A_348 : memref<8x256xf32, #tpu.memory_space<vmem>>)
      %dma_start3A = arith.constant 24 : i32
      %dma_start3A_352 = arith.constant 0 : i32
      %dma_start3A_353 = tpu.memref_slice %arg10[%dma_start3A, %dma_start3A_352] : memref<32x256xf32, #tpu.memory_space<vmem>> -> memref<8x256xf32, #tpu.memory_space<vmem>>
      %dma_start3A_354 = arith.constant 0 : i32
      %dma_start3A_355 = tpu.memref_slice %arg6[%mul3A_77, %dma_start3A_354] : memref<1024x256xf32, #tpu.memory_space<hbm>> -> memref<8x256xf32, #tpu.memory_space<hbm>>
      %dma_start3A_356 = tpu.memref_slice %arg14[%cond3A_275] : memref<9x!tpu.dma_semaphore, #tpu.memory_space<semaphore_mem>> -> memref<1x!tpu.dma_semaphore, #tpu.memory_space<semaphore_mem>>
      %dma_start3A_357 = tpu.memref_squeeze %dma_start3A_356 : memref<1x!tpu.dma_semaphore, #tpu.memory_space<semaphore_mem>> -> memref<!tpu.dma_semaphore, #tpu.memory_space<semaphore_mem>>
      %dma_start3A_358 = arith.constant 0 : i32
      %dma_start3A_359 = tpu.memref_slice %arg6[%mul3A_77, %dma_start3A_358] : memref<1024x256xf32, #tpu.memory_space<hbm>> -> memref<8x256xf32, #tpu.memory_space<hbm>>
      %dma_start3A_360 = arith.constant 24 : i32
      %dma_start3A_361 = arith.constant 0 : i32
      %dma_start3A_362 = tpu.memref_slice %arg10[%dma_start3A_360, %dma_start3A_361] : memref<32x256xf32, #tpu.memory_space<vmem>> -> memref<8x256xf32, #tpu.memory_space<vmem>>
      tpu.enqueue_dma source(%dma_start3A_362 : memref<8x256xf32, #tpu.memory_space<vmem>>) target(%dma_start3A_359 : memref<8x256xf32, #tpu.memory_space<hbm>>) target_semaphore(%dma_start3A_357 : memref<!tpu.dma_semaphore, #tpu.memory_space<semaphore_mem>>)
    } else {
    }
    %convert_element_type3A_278 = arith.extui %gt3A_141 : i1 to i32
    %cond3A_279 = arith.constant 4 : i32
    %cond3A_280 = arith.constant 4 : i32
    %cond3A_281 = arith.constant 0 : i32
    %cond3A_282 = arith.cmpi ne, %convert_element_type3A_278, %cond3A_281 : i32
    scf.if %cond3A_282 {
      %dma_wait3A = arith.constant 0 : i32
      %dma_wait3A_339 = arith.constant 0 : i32
      %dma_wait3A_340 = tpu.memref_slice %arg11[%dma_wait3A, %dma_wait3A_339] : memref<32x1024xf32, #tpu.memory_space<vmem>> -> memref<8x1024xf32, #tpu.memory_space<vmem>>
      %dma_wait3A_341 = arith.constant 0 : i32
      %dma_wait3A_342 = tpu.memref_slice %arg3[%select_n3A, %mul3A_138, %dma_wait3A_341] : memref<50x1000x1024xf32, #tpu.memory_space<hbm>> -> memref<1x8x1024xf32, #tpu.memory_space<hbm>>
      %dma_wait3A_343 = tpu.memref_squeeze %dma_wait3A_342 : memref<1x8x1024xf32, #tpu.memory_space<hbm>> -> memref<8x1024xf32, #tpu.memory_space<hbm>>
      %dma_wait3A_344 = tpu.memref_slice %arg13[%cond3A_279] : memref<9x!tpu.dma_semaphore, #tpu.memory_space<semaphore_mem>> -> memref<1x!tpu.dma_semaphore, #tpu.memory_space<semaphore_mem>>
      %dma_wait3A_345 = tpu.memref_squeeze %dma_wait3A_344 : memref<1x!tpu.dma_semaphore, #tpu.memory_space<semaphore_mem>> -> memref<!tpu.dma_semaphore, #tpu.memory_space<semaphore_mem>>
      %dma_wait3A_346 = arith.constant 0 : i32
      %dma_wait3A_347 = arith.constant 0 : i32
      %dma_wait3A_348 = tpu.memref_slice %arg11[%dma_wait3A_346, %dma_wait3A_347] : memref<32x1024xf32, #tpu.memory_space<vmem>> -> memref<8x1024xf32, #tpu.memory_space<vmem>>
      %dma_wait3A_349 = arith.constant 0 : i32
      %dma_wait3A_350 = tpu.memref_slice %arg3[%select_n3A, %mul3A_138, %dma_wait3A_349] : memref<50x1000x1024xf32, #tpu.memory_space<hbm>> -> memref<1x8x1024xf32, #tpu.memory_space<hbm>>
      %dma_wait3A_351 = tpu.memref_squeeze %dma_wait3A_350 : memref<1x8x1024xf32, #tpu.memory_space<hbm>> -> memref<8x1024xf32, #tpu.memory_space<hbm>>
      tpu.wait_dma2 semaphore(%dma_wait3A_345 : memref<!tpu.dma_semaphore, #tpu.memory_space<semaphore_mem>>) src(%dma_wait3A_351 : memref<8x1024xf32, #tpu.memory_space<hbm>>) dst(%dma_wait3A_348 : memref<8x1024xf32, #tpu.memory_space<vmem>>)
      %dma_start3A = arith.constant 0 : i32
      %dma_start3A_352 = arith.constant 0 : i32
      %dma_start3A_353 = tpu.memref_slice %arg11[%dma_start3A, %dma_start3A_352] : memref<32x1024xf32, #tpu.memory_space<vmem>> -> memref<8x1024xf32, #tpu.memory_space<vmem>>
      %dma_start3A_354 = arith.constant 0 : i32
      %dma_start3A_355 = tpu.memref_slice %arg7[%mul3A_138, %dma_start3A_354] : memref<1000x1024xf32, #tpu.memory_space<hbm>> -> memref<8x1024xf32, #tpu.memory_space<hbm>>
      %dma_start3A_356 = tpu.memref_slice %arg14[%cond3A_280] : memref<9x!tpu.dma_semaphore, #tpu.memory_space<semaphore_mem>> -> memref<1x!tpu.dma_semaphore, #tpu.memory_space<semaphore_mem>>
      %dma_start3A_357 = tpu.memref_squeeze %dma_start3A_356 : memref<1x!tpu.dma_semaphore, #tpu.memory_space<semaphore_mem>> -> memref<!tpu.dma_semaphore, #tpu.memory_space<semaphore_mem>>
      %dma_start3A_358 = arith.constant 0 : i32
      %dma_start3A_359 = tpu.memref_slice %arg7[%mul3A_138, %dma_start3A_358] : memref<1000x1024xf32, #tpu.memory_space<hbm>> -> memref<8x1024xf32, #tpu.memory_space<hbm>>
      %dma_start3A_360 = arith.constant 0 : i32
      %dma_start3A_361 = arith.constant 0 : i32
      %dma_start3A_362 = tpu.memref_slice %arg11[%dma_start3A_360, %dma_start3A_361] : memref<32x1024xf32, #tpu.memory_space<vmem>> -> memref<8x1024xf32, #tpu.memory_space<vmem>>
      tpu.enqueue_dma source(%dma_start3A_362 : memref<8x1024xf32, #tpu.memory_space<vmem>>) target(%dma_start3A_359 : memref<8x1024xf32, #tpu.memory_space<hbm>>) target_semaphore(%dma_start3A_357 : memref<!tpu.dma_semaphore, #tpu.memory_space<semaphore_mem>>)
    } else {
    }
    %convert_element_type3A_283 = arith.extui %gt3A_148 : i1 to i32
    %cond3A_284 = arith.constant 5 : i32
    %cond3A_285 = arith.constant 5 : i32
    %cond3A_286 = arith.constant 0 : i32
    %cond3A_287 = arith.cmpi ne, %convert_element_type3A_283, %cond3A_286 : i32
    scf.if %cond3A_287 {
      %dma_wait3A = arith.constant 8 : i32
      %dma_wait3A_339 = arith.constant 0 : i32
      %dma_wait3A_340 = tpu.memref_slice %arg11[%dma_wait3A, %dma_wait3A_339] : memref<32x1024xf32, #tpu.memory_space<vmem>> -> memref<8x1024xf32, #tpu.memory_space<vmem>>
      %dma_wait3A_341 = arith.constant 0 : i32
      %dma_wait3A_342 = tpu.memref_slice %arg3[%select_n3A, %mul3A_145, %dma_wait3A_341] : memref<50x1000x1024xf32, #tpu.memory_space<hbm>> -> memref<1x8x1024xf32, #tpu.memory_space<hbm>>
      %dma_wait3A_343 = tpu.memref_squeeze %dma_wait3A_342 : memref<1x8x1024xf32, #tpu.memory_space<hbm>> -> memref<8x1024xf32, #tpu.memory_space<hbm>>
      %dma_wait3A_344 = tpu.memref_slice %arg13[%cond3A_284] : memref<9x!tpu.dma_semaphore, #tpu.memory_space<semaphore_mem>> -> memref<1x!tpu.dma_semaphore, #tpu.memory_space<semaphore_mem>>
      %dma_wait3A_345 = tpu.memref_squeeze %dma_wait3A_344 : memref<1x!tpu.dma_semaphore, #tpu.memory_space<semaphore_mem>> -> memref<!tpu.dma_semaphore, #tpu.memory_space<semaphore_mem>>
      %dma_wait3A_346 = arith.constant 8 : i32
      %dma_wait3A_347 = arith.constant 0 : i32
      %dma_wait3A_348 = tpu.memref_slice %arg11[%dma_wait3A_346, %dma_wait3A_347] : memref<32x1024xf32, #tpu.memory_space<vmem>> -> memref<8x1024xf32, #tpu.memory_space<vmem>>
      %dma_wait3A_349 = arith.constant 0 : i32
      %dma_wait3A_350 = tpu.memref_slice %arg3[%select_n3A, %mul3A_145, %dma_wait3A_349] : memref<50x1000x1024xf32, #tpu.memory_space<hbm>> -> memref<1x8x1024xf32, #tpu.memory_space<hbm>>
      %dma_wait3A_351 = tpu.memref_squeeze %dma_wait3A_350 : memref<1x8x1024xf32, #tpu.memory_space<hbm>> -> memref<8x1024xf32, #tpu.memory_space<hbm>>
      tpu.wait_dma2 semaphore(%dma_wait3A_345 : memref<!tpu.dma_semaphore, #tpu.memory_space<semaphore_mem>>) src(%dma_wait3A_351 : memref<8x1024xf32, #tpu.memory_space<hbm>>) dst(%dma_wait3A_348 : memref<8x1024xf32, #tpu.memory_space<vmem>>)
      %dma_start3A = arith.constant 8 : i32
      %dma_start3A_352 = arith.constant 0 : i32
      %dma_start3A_353 = tpu.memref_slice %arg11[%dma_start3A, %dma_start3A_352] : memref<32x1024xf32, #tpu.memory_space<vmem>> -> memref<8x1024xf32, #tpu.memory_space<vmem>>
      %dma_start3A_354 = arith.constant 0 : i32
      %dma_start3A_355 = tpu.memref_slice %arg7[%mul3A_145, %dma_start3A_354] : memref<1000x1024xf32, #tpu.memory_space<hbm>> -> memref<8x1024xf32, #tpu.memory_space<hbm>>
      %dma_start3A_356 = tpu.memref_slice %arg14[%cond3A_285] : memref<9x!tpu.dma_semaphore, #tpu.memory_space<semaphore_mem>> -> memref<1x!tpu.dma_semaphore, #tpu.memory_space<semaphore_mem>>
      %dma_start3A_357 = tpu.memref_squeeze %dma_start3A_356 : memref<1x!tpu.dma_semaphore, #tpu.memory_space<semaphore_mem>> -> memref<!tpu.dma_semaphore, #tpu.memory_space<semaphore_mem>>
      %dma_start3A_358 = arith.constant 0 : i32
      %dma_start3A_359 = tpu.memref_slice %arg7[%mul3A_145, %dma_start3A_358] : memref<1000x1024xf32, #tpu.memory_space<hbm>> -> memref<8x1024xf32, #tpu.memory_space<hbm>>
      %dma_start3A_360 = arith.constant 8 : i32
      %dma_start3A_361 = arith.constant 0 : i32
      %dma_start3A_362 = tpu.memref_slice %arg11[%dma_start3A_360, %dma_start3A_361] : memref<32x1024xf32, #tpu.memory_space<vmem>> -> memref<8x1024xf32, #tpu.memory_space<vmem>>
      tpu.enqueue_dma source(%dma_start3A_362 : memref<8x1024xf32, #tpu.memory_space<vmem>>) target(%dma_start3A_359 : memref<8x1024xf32, #tpu.memory_space<hbm>>) target_semaphore(%dma_start3A_357 : memref<!tpu.dma_semaphore, #tpu.memory_space<semaphore_mem>>)
    } else {
    }
    %convert_element_type3A_288 = arith.extui %gt3A_155 : i1 to i32
    %cond3A_289 = arith.constant 6 : i32
    %cond3A_290 = arith.constant 6 : i32
    %cond3A_291 = arith.constant 0 : i32
    %cond3A_292 = arith.cmpi ne, %convert_element_type3A_288, %cond3A_291 : i32
    scf.if %cond3A_292 {
      %dma_wait3A = arith.constant 16 : i32
      %dma_wait3A_339 = arith.constant 0 : i32
      %dma_wait3A_340 = tpu.memref_slice %arg11[%dma_wait3A, %dma_wait3A_339] : memref<32x1024xf32, #tpu.memory_space<vmem>> -> memref<8x1024xf32, #tpu.memory_space<vmem>>
      %dma_wait3A_341 = arith.constant 0 : i32
      %dma_wait3A_342 = tpu.memref_slice %arg3[%select_n3A, %mul3A_152, %dma_wait3A_341] : memref<50x1000x1024xf32, #tpu.memory_space<hbm>> -> memref<1x8x1024xf32, #tpu.memory_space<hbm>>
      %dma_wait3A_343 = tpu.memref_squeeze %dma_wait3A_342 : memref<1x8x1024xf32, #tpu.memory_space<hbm>> -> memref<8x1024xf32, #tpu.memory_space<hbm>>
      %dma_wait3A_344 = tpu.memref_slice %arg13[%cond3A_289] : memref<9x!tpu.dma_semaphore, #tpu.memory_space<semaphore_mem>> -> memref<1x!tpu.dma_semaphore, #tpu.memory_space<semaphore_mem>>
      %dma_wait3A_345 = tpu.memref_squeeze %dma_wait3A_344 : memref<1x!tpu.dma_semaphore, #tpu.memory_space<semaphore_mem>> -> memref<!tpu.dma_semaphore, #tpu.memory_space<semaphore_mem>>
      %dma_wait3A_346 = arith.constant 16 : i32
      %dma_wait3A_347 = arith.constant 0 : i32
      %dma_wait3A_348 = tpu.memref_slice %arg11[%dma_wait3A_346, %dma_wait3A_347] : memref<32x1024xf32, #tpu.memory_space<vmem>> -> memref<8x1024xf32, #tpu.memory_space<vmem>>
      %dma_wait3A_349 = arith.constant 0 : i32
      %dma_wait3A_350 = tpu.memref_slice %arg3[%select_n3A, %mul3A_152, %dma_wait3A_349] : memref<50x1000x1024xf32, #tpu.memory_space<hbm>> -> memref<1x8x1024xf32, #tpu.memory_space<hbm>>
      %dma_wait3A_351 = tpu.memref_squeeze %dma_wait3A_350 : memref<1x8x1024xf32, #tpu.memory_space<hbm>> -> memref<8x1024xf32, #tpu.memory_space<hbm>>
      tpu.wait_dma2 semaphore(%dma_wait3A_345 : memref<!tpu.dma_semaphore, #tpu.memory_space<semaphore_mem>>) src(%dma_wait3A_351 : memref<8x1024xf32, #tpu.memory_space<hbm>>) dst(%dma_wait3A_348 : memref<8x1024xf32, #tpu.memory_space<vmem>>)
      %dma_start3A = arith.constant 16 : i32
      %dma_start3A_352 = arith.constant 0 : i32
      %dma_start3A_353 = tpu.memref_slice %arg11[%dma_start3A, %dma_start3A_352] : memref<32x1024xf32, #tpu.memory_space<vmem>> -> memref<8x1024xf32, #tpu.memory_space<vmem>>
      %dma_start3A_354 = arith.constant 0 : i32
      %dma_start3A_355 = tpu.memref_slice %arg7[%mul3A_152, %dma_start3A_354] : memref<1000x1024xf32, #tpu.memory_space<hbm>> -> memref<8x1024xf32, #tpu.memory_space<hbm>>
      %dma_start3A_356 = tpu.memref_slice %arg14[%cond3A_290] : memref<9x!tpu.dma_semaphore, #tpu.memory_space<semaphore_mem>> -> memref<1x!tpu.dma_semaphore, #tpu.memory_space<semaphore_mem>>
      %dma_start3A_357 = tpu.memref_squeeze %dma_start3A_356 : memref<1x!tpu.dma_semaphore, #tpu.memory_space<semaphore_mem>> -> memref<!tpu.dma_semaphore, #tpu.memory_space<semaphore_mem>>
      %dma_start3A_358 = arith.constant 0 : i32
      %dma_start3A_359 = tpu.memref_slice %arg7[%mul3A_152, %dma_start3A_358] : memref<1000x1024xf32, #tpu.memory_space<hbm>> -> memref<8x1024xf32, #tpu.memory_space<hbm>>
      %dma_start3A_360 = arith.constant 16 : i32
      %dma_start3A_361 = arith.constant 0 : i32
      %dma_start3A_362 = tpu.memref_slice %arg11[%dma_start3A_360, %dma_start3A_361] : memref<32x1024xf32, #tpu.memory_space<vmem>> -> memref<8x1024xf32, #tpu.memory_space<vmem>>
      tpu.enqueue_dma source(%dma_start3A_362 : memref<8x1024xf32, #tpu.memory_space<vmem>>) target(%dma_start3A_359 : memref<8x1024xf32, #tpu.memory_space<hbm>>) target_semaphore(%dma_start3A_357 : memref<!tpu.dma_semaphore, #tpu.memory_space<semaphore_mem>>)
    } else {
    }
    %convert_element_type3A_293 = arith.extui %gt3A_162 : i1 to i32
    %cond3A_294 = arith.constant 7 : i32
    %cond3A_295 = arith.constant 7 : i32
    %cond3A_296 = arith.constant 0 : i32
    %cond3A_297 = arith.cmpi ne, %convert_element_type3A_293, %cond3A_296 : i32
    scf.if %cond3A_297 {
      %dma_wait3A = arith.constant 24 : i32
      %dma_wait3A_339 = arith.constant 0 : i32
      %dma_wait3A_340 = tpu.memref_slice %arg11[%dma_wait3A, %dma_wait3A_339] : memref<32x1024xf32, #tpu.memory_space<vmem>> -> memref<8x1024xf32, #tpu.memory_space<vmem>>
      %dma_wait3A_341 = arith.constant 0 : i32
      %dma_wait3A_342 = tpu.memref_slice %arg3[%select_n3A, %mul3A_159, %dma_wait3A_341] : memref<50x1000x1024xf32, #tpu.memory_space<hbm>> -> memref<1x8x1024xf32, #tpu.memory_space<hbm>>
      %dma_wait3A_343 = tpu.memref_squeeze %dma_wait3A_342 : memref<1x8x1024xf32, #tpu.memory_space<hbm>> -> memref<8x1024xf32, #tpu.memory_space<hbm>>
      %dma_wait3A_344 = tpu.memref_slice %arg13[%cond3A_294] : memref<9x!tpu.dma_semaphore, #tpu.memory_space<semaphore_mem>> -> memref<1x!tpu.dma_semaphore, #tpu.memory_space<semaphore_mem>>
      %dma_wait3A_345 = tpu.memref_squeeze %dma_wait3A_344 : memref<1x!tpu.dma_semaphore, #tpu.memory_space<semaphore_mem>> -> memref<!tpu.dma_semaphore, #tpu.memory_space<semaphore_mem>>
      %dma_wait3A_346 = arith.constant 24 : i32
      %dma_wait3A_347 = arith.constant 0 : i32
      %dma_wait3A_348 = tpu.memref_slice %arg11[%dma_wait3A_346, %dma_wait3A_347] : memref<32x1024xf32, #tpu.memory_space<vmem>> -> memref<8x1024xf32, #tpu.memory_space<vmem>>
      %dma_wait3A_349 = arith.constant 0 : i32
      %dma_wait3A_350 = tpu.memref_slice %arg3[%select_n3A, %mul3A_159, %dma_wait3A_349] : memref<50x1000x1024xf32, #tpu.memory_space<hbm>> -> memref<1x8x1024xf32, #tpu.memory_space<hbm>>
      %dma_wait3A_351 = tpu.memref_squeeze %dma_wait3A_350 : memref<1x8x1024xf32, #tpu.memory_space<hbm>> -> memref<8x1024xf32, #tpu.memory_space<hbm>>
      tpu.wait_dma2 semaphore(%dma_wait3A_345 : memref<!tpu.dma_semaphore, #tpu.memory_space<semaphore_mem>>) src(%dma_wait3A_351 : memref<8x1024xf32, #tpu.memory_space<hbm>>) dst(%dma_wait3A_348 : memref<8x1024xf32, #tpu.memory_space<vmem>>)
      %dma_start3A = arith.constant 24 : i32
      %dma_start3A_352 = arith.constant 0 : i32
      %dma_start3A_353 = tpu.memref_slice %arg11[%dma_start3A, %dma_start3A_352] : memref<32x1024xf32, #tpu.memory_space<vmem>> -> memref<8x1024xf32, #tpu.memory_space<vmem>>
      %dma_start3A_354 = arith.constant 0 : i32
      %dma_start3A_355 = tpu.memref_slice %arg7[%mul3A_159, %dma_start3A_354] : memref<1000x1024xf32, #tpu.memory_space<hbm>> -> memref<8x1024xf32, #tpu.memory_space<hbm>>
      %dma_start3A_356 = tpu.memref_slice %arg14[%cond3A_295] : memref<9x!tpu.dma_semaphore, #tpu.memory_space<semaphore_mem>> -> memref<1x!tpu.dma_semaphore, #tpu.memory_space<semaphore_mem>>
      %dma_start3A_357 = tpu.memref_squeeze %dma_start3A_356 : memref<1x!tpu.dma_semaphore, #tpu.memory_space<semaphore_mem>> -> memref<!tpu.dma_semaphore, #tpu.memory_space<semaphore_mem>>
      %dma_start3A_358 = arith.constant 0 : i32
      %dma_start3A_359 = tpu.memref_slice %arg7[%mul3A_159, %dma_start3A_358] : memref<1000x1024xf32, #tpu.memory_space<hbm>> -> memref<8x1024xf32, #tpu.memory_space<hbm>>
      %dma_start3A_360 = arith.constant 24 : i32
      %dma_start3A_361 = arith.constant 0 : i32
      %dma_start3A_362 = tpu.memref_slice %arg11[%dma_start3A_360, %dma_start3A_361] : memref<32x1024xf32, #tpu.memory_space<vmem>> -> memref<8x1024xf32, #tpu.memory_space<vmem>>
      tpu.enqueue_dma source(%dma_start3A_362 : memref<8x1024xf32, #tpu.memory_space<vmem>>) target(%dma_start3A_359 : memref<8x1024xf32, #tpu.memory_space<hbm>>) target_semaphore(%dma_start3A_357 : memref<!tpu.dma_semaphore, #tpu.memory_space<semaphore_mem>>)
    } else {
    }
    %convert_element_type3A_298 = arith.extui %gt3A_223 : i1 to i32
    %cond3A_299 = arith.constant 8 : i32
    %cond3A_300 = arith.constant 8 : i32
    %cond3A_301 = arith.constant 0 : i32
    %cond3A_302 = arith.cmpi ne, %convert_element_type3A_298, %cond3A_301 : i32
    scf.if %cond3A_302 {
      %dma_wait3A = arith.constant 0 : i32
      %dma_wait3A_339 = arith.constant 0 : i32
      %dma_wait3A_340 = tpu.memref_slice %arg12[%dma_wait3A, %dma_wait3A_339] : memref<8x1024xf32, #tpu.memory_space<vmem>> -> memref<8x1024xf32, #tpu.memory_space<vmem>>
      %dma_wait3A_341 = arith.constant 0 : i32
      %dma_wait3A_342 = tpu.memref_slice %arg4[%select_n3A, %mul3A_220, %dma_wait3A_341] : memref<50x200x1024xf32, #tpu.memory_space<hbm>> -> memref<1x8x1024xf32, #tpu.memory_space<hbm>>
      %dma_wait3A_343 = tpu.memref_squeeze %dma_wait3A_342 : memref<1x8x1024xf32, #tpu.memory_space<hbm>> -> memref<8x1024xf32, #tpu.memory_space<hbm>>
      %dma_wait3A_344 = tpu.memref_slice %arg13[%cond3A_299] : memref<9x!tpu.dma_semaphore, #tpu.memory_space<semaphore_mem>> -> memref<1x!tpu.dma_semaphore, #tpu.memory_space<semaphore_mem>>
      %dma_wait3A_345 = tpu.memref_squeeze %dma_wait3A_344 : memref<1x!tpu.dma_semaphore, #tpu.memory_space<semaphore_mem>> -> memref<!tpu.dma_semaphore, #tpu.memory_space<semaphore_mem>>
      %dma_wait3A_346 = arith.constant 0 : i32
      %dma_wait3A_347 = arith.constant 0 : i32
      %dma_wait3A_348 = tpu.memref_slice %arg12[%dma_wait3A_346, %dma_wait3A_347] : memref<8x1024xf32, #tpu.memory_space<vmem>> -> memref<8x1024xf32, #tpu.memory_space<vmem>>
      %dma_wait3A_349 = arith.constant 0 : i32
      %dma_wait3A_350 = tpu.memref_slice %arg4[%select_n3A, %mul3A_220, %dma_wait3A_349] : memref<50x200x1024xf32, #tpu.memory_space<hbm>> -> memref<1x8x1024xf32, #tpu.memory_space<hbm>>
      %dma_wait3A_351 = tpu.memref_squeeze %dma_wait3A_350 : memref<1x8x1024xf32, #tpu.memory_space<hbm>> -> memref<8x1024xf32, #tpu.memory_space<hbm>>
      tpu.wait_dma2 semaphore(%dma_wait3A_345 : memref<!tpu.dma_semaphore, #tpu.memory_space<semaphore_mem>>) src(%dma_wait3A_351 : memref<8x1024xf32, #tpu.memory_space<hbm>>) dst(%dma_wait3A_348 : memref<8x1024xf32, #tpu.memory_space<vmem>>)
      %dma_start3A = arith.constant 0 : i32
      %dma_start3A_352 = arith.constant 0 : i32
      %dma_start3A_353 = tpu.memref_slice %arg12[%dma_start3A, %dma_start3A_352] : memref<8x1024xf32, #tpu.memory_space<vmem>> -> memref<8x1024xf32, #tpu.memory_space<vmem>>
      %dma_start3A_354 = arith.constant 0 : i32
      %dma_start3A_355 = tpu.memref_slice %arg8[%mul3A_220, %dma_start3A_354] : memref<200x1024xf32, #tpu.memory_space<hbm>> -> memref<8x1024xf32, #tpu.memory_space<hbm>>
      %dma_start3A_356 = tpu.memref_slice %arg14[%cond3A_300] : memref<9x!tpu.dma_semaphore, #tpu.memory_space<semaphore_mem>> -> memref<1x!tpu.dma_semaphore, #tpu.memory_space<semaphore_mem>>
      %dma_start3A_357 = tpu.memref_squeeze %dma_start3A_356 : memref<1x!tpu.dma_semaphore, #tpu.memory_space<semaphore_mem>> -> memref<!tpu.dma_semaphore, #tpu.memory_space<semaphore_mem>>
      %dma_start3A_358 = arith.constant 0 : i32
      %dma_start3A_359 = tpu.memref_slice %arg8[%mul3A_220, %dma_start3A_358] : memref<200x1024xf32, #tpu.memory_space<hbm>> -> memref<8x1024xf32, #tpu.memory_space<hbm>>
      %dma_start3A_360 = arith.constant 0 : i32
      %dma_start3A_361 = arith.constant 0 : i32
      %dma_start3A_362 = tpu.memref_slice %arg12[%dma_start3A_360, %dma_start3A_361] : memref<8x1024xf32, #tpu.memory_space<vmem>> -> memref<8x1024xf32, #tpu.memory_space<vmem>>
      tpu.enqueue_dma source(%dma_start3A_362 : memref<8x1024xf32, #tpu.memory_space<vmem>>) target(%dma_start3A_359 : memref<8x1024xf32, #tpu.memory_space<hbm>>) target_semaphore(%dma_start3A_357 : memref<!tpu.dma_semaphore, #tpu.memory_space<semaphore_mem>>)
    } else {
    }
    %convert_element_type3A_303 = arith.extui %gt3A_59 : i1 to i32
    %cond3A_304 = arith.constant 0 : i32
    %cond3A_305 = arith.constant 0 : i32
    %cond3A_306 = arith.cmpi ne, %convert_element_type3A_303, %cond3A_305 : i32
    scf.if %cond3A_306 {
      %dma_wait3A = arith.constant 0 : i32
      %dma_wait3A_339 = arith.constant 0 : i32
      %dma_wait3A_340 = tpu.memref_slice %arg10[%dma_wait3A, %dma_wait3A_339] : memref<32x256xf32, #tpu.memory_space<vmem>> -> memref<8x256xf32, #tpu.memory_space<vmem>>
      %dma_wait3A_341 = arith.constant 0 : i32
      %dma_wait3A_342 = tpu.memref_slice %arg6[%mul3A_57, %dma_wait3A_341] : memref<1024x256xf32, #tpu.memory_space<hbm>> -> memref<8x256xf32, #tpu.memory_space<hbm>>
      %dma_wait3A_343 = tpu.memref_slice %arg14[%cond3A_304] : memref<9x!tpu.dma_semaphore, #tpu.memory_space<semaphore_mem>> -> memref<1x!tpu.dma_semaphore, #tpu.memory_space<semaphore_mem>>
      %dma_wait3A_344 = tpu.memref_squeeze %dma_wait3A_343 : memref<1x!tpu.dma_semaphore, #tpu.memory_space<semaphore_mem>> -> memref<!tpu.dma_semaphore, #tpu.memory_space<semaphore_mem>>
      %dma_wait3A_345 = arith.constant 0 : i32
      %dma_wait3A_346 = tpu.memref_slice %arg6[%mul3A_57, %dma_wait3A_345] : memref<1024x256xf32, #tpu.memory_space<hbm>> -> memref<8x256xf32, #tpu.memory_space<hbm>>
      %dma_wait3A_347 = arith.constant 0 : i32
      %dma_wait3A_348 = arith.constant 0 : i32
      %dma_wait3A_349 = tpu.memref_slice %arg10[%dma_wait3A_347, %dma_wait3A_348] : memref<32x256xf32, #tpu.memory_space<vmem>> -> memref<8x256xf32, #tpu.memory_space<vmem>>
      tpu.wait_dma2 semaphore(%dma_wait3A_344 : memref<!tpu.dma_semaphore, #tpu.memory_space<semaphore_mem>>) src(%dma_wait3A_349 : memref<8x256xf32, #tpu.memory_space<vmem>>) dst(%dma_wait3A_346 : memref<8x256xf32, #tpu.memory_space<hbm>>)
    } else {
    }
    %convert_element_type3A_307 = arith.extui %gt3A_66 : i1 to i32
    %cond3A_308 = arith.constant 1 : i32
    %cond3A_309 = arith.constant 0 : i32
    %cond3A_310 = arith.cmpi ne, %convert_element_type3A_307, %cond3A_309 : i32
    scf.if %cond3A_310 {
      %dma_wait3A = arith.constant 8 : i32
      %dma_wait3A_339 = arith.constant 0 : i32
      %dma_wait3A_340 = tpu.memref_slice %arg10[%dma_wait3A, %dma_wait3A_339] : memref<32x256xf32, #tpu.memory_space<vmem>> -> memref<8x256xf32, #tpu.memory_space<vmem>>
      %dma_wait3A_341 = arith.constant 0 : i32
      %dma_wait3A_342 = tpu.memref_slice %arg6[%mul3A_63, %dma_wait3A_341] : memref<1024x256xf32, #tpu.memory_space<hbm>> -> memref<8x256xf32, #tpu.memory_space<hbm>>
      %dma_wait3A_343 = tpu.memref_slice %arg14[%cond3A_308] : memref<9x!tpu.dma_semaphore, #tpu.memory_space<semaphore_mem>> -> memref<1x!tpu.dma_semaphore, #tpu.memory_space<semaphore_mem>>
      %dma_wait3A_344 = tpu.memref_squeeze %dma_wait3A_343 : memref<1x!tpu.dma_semaphore, #tpu.memory_space<semaphore_mem>> -> memref<!tpu.dma_semaphore, #tpu.memory_space<semaphore_mem>>
      %dma_wait3A_345 = arith.constant 0 : i32
      %dma_wait3A_346 = tpu.memref_slice %arg6[%mul3A_63, %dma_wait3A_345] : memref<1024x256xf32, #tpu.memory_space<hbm>> -> memref<8x256xf32, #tpu.memory_space<hbm>>
      %dma_wait3A_347 = arith.constant 8 : i32
      %dma_wait3A_348 = arith.constant 0 : i32
      %dma_wait3A_349 = tpu.memref_slice %arg10[%dma_wait3A_347, %dma_wait3A_348] : memref<32x256xf32, #tpu.memory_space<vmem>> -> memref<8x256xf32, #tpu.memory_space<vmem>>
      tpu.wait_dma2 semaphore(%dma_wait3A_344 : memref<!tpu.dma_semaphore, #tpu.memory_space<semaphore_mem>>) src(%dma_wait3A_349 : memref<8x256xf32, #tpu.memory_space<vmem>>) dst(%dma_wait3A_346 : memref<8x256xf32, #tpu.memory_space<hbm>>)
    } else {
    }
    %convert_element_type3A_311 = arith.extui %gt3A_73 : i1 to i32
    %cond3A_312 = arith.constant 2 : i32
    %cond3A_313 = arith.constant 0 : i32
    %cond3A_314 = arith.cmpi ne, %convert_element_type3A_311, %cond3A_313 : i32
    scf.if %cond3A_314 {
      %dma_wait3A = arith.constant 16 : i32
      %dma_wait3A_339 = arith.constant 0 : i32
      %dma_wait3A_340 = tpu.memref_slice %arg10[%dma_wait3A, %dma_wait3A_339] : memref<32x256xf32, #tpu.memory_space<vmem>> -> memref<8x256xf32, #tpu.memory_space<vmem>>
      %dma_wait3A_341 = arith.constant 0 : i32
      %dma_wait3A_342 = tpu.memref_slice %arg6[%mul3A_70, %dma_wait3A_341] : memref<1024x256xf32, #tpu.memory_space<hbm>> -> memref<8x256xf32, #tpu.memory_space<hbm>>
      %dma_wait3A_343 = tpu.memref_slice %arg14[%cond3A_312] : memref<9x!tpu.dma_semaphore, #tpu.memory_space<semaphore_mem>> -> memref<1x!tpu.dma_semaphore, #tpu.memory_space<semaphore_mem>>
      %dma_wait3A_344 = tpu.memref_squeeze %dma_wait3A_343 : memref<1x!tpu.dma_semaphore, #tpu.memory_space<semaphore_mem>> -> memref<!tpu.dma_semaphore, #tpu.memory_space<semaphore_mem>>
      %dma_wait3A_345 = arith.constant 0 : i32
      %dma_wait3A_346 = tpu.memref_slice %arg6[%mul3A_70, %dma_wait3A_345] : memref<1024x256xf32, #tpu.memory_space<hbm>> -> memref<8x256xf32, #tpu.memory_space<hbm>>
      %dma_wait3A_347 = arith.constant 16 : i32
      %dma_wait3A_348 = arith.constant 0 : i32
      %dma_wait3A_349 = tpu.memref_slice %arg10[%dma_wait3A_347, %dma_wait3A_348] : memref<32x256xf32, #tpu.memory_space<vmem>> -> memref<8x256xf32, #tpu.memory_space<vmem>>
      tpu.wait_dma2 semaphore(%dma_wait3A_344 : memref<!tpu.dma_semaphore, #tpu.memory_space<semaphore_mem>>) src(%dma_wait3A_349 : memref<8x256xf32, #tpu.memory_space<vmem>>) dst(%dma_wait3A_346 : memref<8x256xf32, #tpu.memory_space<hbm>>)
    } else {
    }
    %convert_element_type3A_315 = arith.extui %gt3A_80 : i1 to i32
    %cond3A_316 = arith.constant 3 : i32
    %cond3A_317 = arith.constant 0 : i32
    %cond3A_318 = arith.cmpi ne, %convert_element_type3A_315, %cond3A_317 : i32
    scf.if %cond3A_318 {
      %dma_wait3A = arith.constant 24 : i32
      %dma_wait3A_339 = arith.constant 0 : i32
      %dma_wait3A_340 = tpu.memref_slice %arg10[%dma_wait3A, %dma_wait3A_339] : memref<32x256xf32, #tpu.memory_space<vmem>> -> memref<8x256xf32, #tpu.memory_space<vmem>>
      %dma_wait3A_341 = arith.constant 0 : i32
      %dma_wait3A_342 = tpu.memref_slice %arg6[%mul3A_77, %dma_wait3A_341] : memref<1024x256xf32, #tpu.memory_space<hbm>> -> memref<8x256xf32, #tpu.memory_space<hbm>>
      %dma_wait3A_343 = tpu.memref_slice %arg14[%cond3A_316] : memref<9x!tpu.dma_semaphore, #tpu.memory_space<semaphore_mem>> -> memref<1x!tpu.dma_semaphore, #tpu.memory_space<semaphore_mem>>
      %dma_wait3A_344 = tpu.memref_squeeze %dma_wait3A_343 : memref<1x!tpu.dma_semaphore, #tpu.memory_space<semaphore_mem>> -> memref<!tpu.dma_semaphore, #tpu.memory_space<semaphore_mem>>
      %dma_wait3A_345 = arith.constant 0 : i32
      %dma_wait3A_346 = tpu.memref_slice %arg6[%mul3A_77, %dma_wait3A_345] : memref<1024x256xf32, #tpu.memory_space<hbm>> -> memref<8x256xf32, #tpu.memory_space<hbm>>
      %dma_wait3A_347 = arith.constant 24 : i32
      %dma_wait3A_348 = arith.constant 0 : i32
      %dma_wait3A_349 = tpu.memref_slice %arg10[%dma_wait3A_347, %dma_wait3A_348] : memref<32x256xf32, #tpu.memory_space<vmem>> -> memref<8x256xf32, #tpu.memory_space<vmem>>
      tpu.wait_dma2 semaphore(%dma_wait3A_344 : memref<!tpu.dma_semaphore, #tpu.memory_space<semaphore_mem>>) src(%dma_wait3A_349 : memref<8x256xf32, #tpu.memory_space<vmem>>) dst(%dma_wait3A_346 : memref<8x256xf32, #tpu.memory_space<hbm>>)
    } else {
    }
    %convert_element_type3A_319 = arith.extui %gt3A_141 : i1 to i32
    %cond3A_320 = arith.constant 4 : i32
    %cond3A_321 = arith.constant 0 : i32
    %cond3A_322 = arith.cmpi ne, %convert_element_type3A_319, %cond3A_321 : i32
    scf.if %cond3A_322 {
      %dma_wait3A = arith.constant 0 : i32
      %dma_wait3A_339 = arith.constant 0 : i32
      %dma_wait3A_340 = tpu.memref_slice %arg11[%dma_wait3A, %dma_wait3A_339] : memref<32x1024xf32, #tpu.memory_space<vmem>> -> memref<8x1024xf32, #tpu.memory_space<vmem>>
      %dma_wait3A_341 = arith.constant 0 : i32
      %dma_wait3A_342 = tpu.memref_slice %arg7[%mul3A_138, %dma_wait3A_341] : memref<1000x1024xf32, #tpu.memory_space<hbm>> -> memref<8x1024xf32, #tpu.memory_space<hbm>>
      %dma_wait3A_343 = tpu.memref_slice %arg14[%cond3A_320] : memref<9x!tpu.dma_semaphore, #tpu.memory_space<semaphore_mem>> -> memref<1x!tpu.dma_semaphore, #tpu.memory_space<semaphore_mem>>
      %dma_wait3A_344 = tpu.memref_squeeze %dma_wait3A_343 : memref<1x!tpu.dma_semaphore, #tpu.memory_space<semaphore_mem>> -> memref<!tpu.dma_semaphore, #tpu.memory_space<semaphore_mem>>
      %dma_wait3A_345 = arith.constant 0 : i32
      %dma_wait3A_346 = tpu.memref_slice %arg7[%mul3A_138, %dma_wait3A_345] : memref<1000x1024xf32, #tpu.memory_space<hbm>> -> memref<8x1024xf32, #tpu.memory_space<hbm>>
      %dma_wait3A_347 = arith.constant 0 : i32
      %dma_wait3A_348 = arith.constant 0 : i32
      %dma_wait3A_349 = tpu.memref_slice %arg11[%dma_wait3A_347, %dma_wait3A_348] : memref<32x1024xf32, #tpu.memory_space<vmem>> -> memref<8x1024xf32, #tpu.memory_space<vmem>>
      tpu.wait_dma2 semaphore(%dma_wait3A_344 : memref<!tpu.dma_semaphore, #tpu.memory_space<semaphore_mem>>) src(%dma_wait3A_349 : memref<8x1024xf32, #tpu.memory_space<vmem>>) dst(%dma_wait3A_346 : memref<8x1024xf32, #tpu.memory_space<hbm>>)
    } else {
    }
    %convert_element_type3A_323 = arith.extui %gt3A_148 : i1 to i32
    %cond3A_324 = arith.constant 5 : i32
    %cond3A_325 = arith.constant 0 : i32
    %cond3A_326 = arith.cmpi ne, %convert_element_type3A_323, %cond3A_325 : i32
    scf.if %cond3A_326 {
      %dma_wait3A = arith.constant 8 : i32
      %dma_wait3A_339 = arith.constant 0 : i32
      %dma_wait3A_340 = tpu.memref_slice %arg11[%dma_wait3A, %dma_wait3A_339] : memref<32x1024xf32, #tpu.memory_space<vmem>> -> memref<8x1024xf32, #tpu.memory_space<vmem>>
      %dma_wait3A_341 = arith.constant 0 : i32
      %dma_wait3A_342 = tpu.memref_slice %arg7[%mul3A_145, %dma_wait3A_341] : memref<1000x1024xf32, #tpu.memory_space<hbm>> -> memref<8x1024xf32, #tpu.memory_space<hbm>>
      %dma_wait3A_343 = tpu.memref_slice %arg14[%cond3A_324] : memref<9x!tpu.dma_semaphore, #tpu.memory_space<semaphore_mem>> -> memref<1x!tpu.dma_semaphore, #tpu.memory_space<semaphore_mem>>
      %dma_wait3A_344 = tpu.memref_squeeze %dma_wait3A_343 : memref<1x!tpu.dma_semaphore, #tpu.memory_space<semaphore_mem>> -> memref<!tpu.dma_semaphore, #tpu.memory_space<semaphore_mem>>
      %dma_wait3A_345 = arith.constant 0 : i32
      %dma_wait3A_346 = tpu.memref_slice %arg7[%mul3A_145, %dma_wait3A_345] : memref<1000x1024xf32, #tpu.memory_space<hbm>> -> memref<8x1024xf32, #tpu.memory_space<hbm>>
      %dma_wait3A_347 = arith.constant 8 : i32
      %dma_wait3A_348 = arith.constant 0 : i32
      %dma_wait3A_349 = tpu.memref_slice %arg11[%dma_wait3A_347, %dma_wait3A_348] : memref<32x1024xf32, #tpu.memory_space<vmem>> -> memref<8x1024xf32, #tpu.memory_space<vmem>>
      tpu.wait_dma2 semaphore(%dma_wait3A_344 : memref<!tpu.dma_semaphore, #tpu.memory_space<semaphore_mem>>) src(%dma_wait3A_349 : memref<8x1024xf32, #tpu.memory_space<vmem>>) dst(%dma_wait3A_346 : memref<8x1024xf32, #tpu.memory_space<hbm>>)
    } else {
    }
    %convert_element_type3A_327 = arith.extui %gt3A_155 : i1 to i32
    %cond3A_328 = arith.constant 6 : i32
    %cond3A_329 = arith.constant 0 : i32
    %cond3A_330 = arith.cmpi ne, %convert_element_type3A_327, %cond3A_329 : i32
    scf.if %cond3A_330 {
      %dma_wait3A = arith.constant 16 : i32
      %dma_wait3A_339 = arith.constant 0 : i32
      %dma_wait3A_340 = tpu.memref_slice %arg11[%dma_wait3A, %dma_wait3A_339] : memref<32x1024xf32, #tpu.memory_space<vmem>> -> memref<8x1024xf32, #tpu.memory_space<vmem>>
      %dma_wait3A_341 = arith.constant 0 : i32
      %dma_wait3A_342 = tpu.memref_slice %arg7[%mul3A_152, %dma_wait3A_341] : memref<1000x1024xf32, #tpu.memory_space<hbm>> -> memref<8x1024xf32, #tpu.memory_space<hbm>>
      %dma_wait3A_343 = tpu.memref_slice %arg14[%cond3A_328] : memref<9x!tpu.dma_semaphore, #tpu.memory_space<semaphore_mem>> -> memref<1x!tpu.dma_semaphore, #tpu.memory_space<semaphore_mem>>
      %dma_wait3A_344 = tpu.memref_squeeze %dma_wait3A_343 : memref<1x!tpu.dma_semaphore, #tpu.memory_space<semaphore_mem>> -> memref<!tpu.dma_semaphore, #tpu.memory_space<semaphore_mem>>
      %dma_wait3A_345 = arith.constant 0 : i32
      %dma_wait3A_346 = tpu.memref_slice %arg7[%mul3A_152, %dma_wait3A_345] : memref<1000x1024xf32, #tpu.memory_space<hbm>> -> memref<8x1024xf32, #tpu.memory_space<hbm>>
      %dma_wait3A_347 = arith.constant 16 : i32
      %dma_wait3A_348 = arith.constant 0 : i32
      %dma_wait3A_349 = tpu.memref_slice %arg11[%dma_wait3A_347, %dma_wait3A_348] : memref<32x1024xf32, #tpu.memory_space<vmem>> -> memref<8x1024xf32, #tpu.memory_space<vmem>>
      tpu.wait_dma2 semaphore(%dma_wait3A_344 : memref<!tpu.dma_semaphore, #tpu.memory_space<semaphore_mem>>) src(%dma_wait3A_349 : memref<8x1024xf32, #tpu.memory_space<vmem>>) dst(%dma_wait3A_346 : memref<8x1024xf32, #tpu.memory_space<hbm>>)
    } else {
    }
    %convert_element_type3A_331 = arith.extui %gt3A_162 : i1 to i32
    %cond3A_332 = arith.constant 7 : i32
    %cond3A_333 = arith.constant 0 : i32
    %cond3A_334 = arith.cmpi ne, %convert_element_type3A_331, %cond3A_333 : i32
    scf.if %cond3A_334 {
      %dma_wait3A = arith.constant 24 : i32
      %dma_wait3A_339 = arith.constant 0 : i32
      %dma_wait3A_340 = tpu.memref_slice %arg11[%dma_wait3A, %dma_wait3A_339] : memref<32x1024xf32, #tpu.memory_space<vmem>> -> memref<8x1024xf32, #tpu.memory_space<vmem>>
      %dma_wait3A_341 = arith.constant 0 : i32
      %dma_wait3A_342 = tpu.memref_slice %arg7[%mul3A_159, %dma_wait3A_341] : memref<1000x1024xf32, #tpu.memory_space<hbm>> -> memref<8x1024xf32, #tpu.memory_space<hbm>>
      %dma_wait3A_343 = tpu.memref_slice %arg14[%cond3A_332] : memref<9x!tpu.dma_semaphore, #tpu.memory_space<semaphore_mem>> -> memref<1x!tpu.dma_semaphore, #tpu.memory_space<semaphore_mem>>
      %dma_wait3A_344 = tpu.memref_squeeze %dma_wait3A_343 : memref<1x!tpu.dma_semaphore, #tpu.memory_space<semaphore_mem>> -> memref<!tpu.dma_semaphore, #tpu.memory_space<semaphore_mem>>
      %dma_wait3A_345 = arith.constant 0 : i32
      %dma_wait3A_346 = tpu.memref_slice %arg7[%mul3A_159, %dma_wait3A_345] : memref<1000x1024xf32, #tpu.memory_space<hbm>> -> memref<8x1024xf32, #tpu.memory_space<hbm>>
      %dma_wait3A_347 = arith.constant 24 : i32
      %dma_wait3A_348 = arith.constant 0 : i32
      %dma_wait3A_349 = tpu.memref_slice %arg11[%dma_wait3A_347, %dma_wait3A_348] : memref<32x1024xf32, #tpu.memory_space<vmem>> -> memref<8x1024xf32, #tpu.memory_space<vmem>>
      tpu.wait_dma2 semaphore(%dma_wait3A_344 : memref<!tpu.dma_semaphore, #tpu.memory_space<semaphore_mem>>) src(%dma_wait3A_349 : memref<8x1024xf32, #tpu.memory_space<vmem>>) dst(%dma_wait3A_346 : memref<8x1024xf32, #tpu.memory_space<hbm>>)
    } else {
    }
    %convert_element_type3A_335 = arith.extui %gt3A_223 : i1 to i32
    %cond3A_336 = arith.constant 8 : i32
    %cond3A_337 = arith.constant 0 : i32
    %cond3A_338 = arith.cmpi ne, %convert_element_type3A_335, %cond3A_337 : i32
    scf.if %cond3A_338 {
      %dma_wait3A = arith.constant 0 : i32
      %dma_wait3A_339 = arith.constant 0 : i32
      %dma_wait3A_340 = tpu.memref_slice %arg12[%dma_wait3A, %dma_wait3A_339] : memref<8x1024xf32, #tpu.memory_space<vmem>> -> memref<8x1024xf32, #tpu.memory_space<vmem>>
      %dma_wait3A_341 = arith.constant 0 : i32
      %dma_wait3A_342 = tpu.memref_slice %arg8[%mul3A_220, %dma_wait3A_341] : memref<200x1024xf32, #tpu.memory_space<hbm>> -> memref<8x1024xf32, #tpu.memory_space<hbm>>
      %dma_wait3A_343 = tpu.memref_slice %arg14[%cond3A_336] : memref<9x!tpu.dma_semaphore, #tpu.memory_space<semaphore_mem>> -> memref<1x!tpu.dma_semaphore, #tpu.memory_space<semaphore_mem>>
      %dma_wait3A_344 = tpu.memref_squeeze %dma_wait3A_343 : memref<1x!tpu.dma_semaphore, #tpu.memory_space<semaphore_mem>> -> memref<!tpu.dma_semaphore, #tpu.memory_space<semaphore_mem>>
      %dma_wait3A_345 = arith.constant 0 : i32
      %dma_wait3A_346 = tpu.memref_slice %arg8[%mul3A_220, %dma_wait3A_345] : memref<200x1024xf32, #tpu.memory_space<hbm>> -> memref<8x1024xf32, #tpu.memory_space<hbm>>
      %dma_wait3A_347 = arith.constant 0 : i32
      %dma_wait3A_348 = arith.constant 0 : i32
      %dma_wait3A_349 = tpu.memref_slice %arg12[%dma_wait3A_347, %dma_wait3A_348] : memref<8x1024xf32, #tpu.memory_space<vmem>> -> memref<8x1024xf32, #tpu.memory_space<vmem>>
      tpu.wait_dma2 semaphore(%dma_wait3A_344 : memref<!tpu.dma_semaphore, #tpu.memory_space<semaphore_mem>>) src(%dma_wait3A_349 : memref<8x1024xf32, #tpu.memory_space<vmem>>) dst(%dma_wait3A_346 : memref<8x1024xf32, #tpu.memory_space<hbm>>)
    } else {
    }
    return
  }
}

</mosaic_0001>

<sc_bundles>
// kernel: kernel.3.cloned.1.call-start
scs
__scs_entry_jumppad:
0x0: {  	(pc) =	sbr.rel $0x88, $3  }
0x1: {  	(tag) =	ssettag $0x0;
	lr =	simm.s32 $0x1  }
0x2: {  	[smem:$0x3F9D] =	sst lr;
	_ =	strace $0xD0000000  }
0x3: {  	_ = 	snop  }
0x4: {  	_ = 	snop  }
0x5: {  	_ = 	snop  }
0x6: {  	_ = 	snop  }
0x7: {  	_ = 	snop  }
__scs_overlays_trampoline_lowered:
0x8: {  	[smem:$0x3FAC] =	sst s0  }
0x9: {  	[smem:$0x3FAD] =	sst s1  }
0xa: {  	[smem:$0x3FAE] =	sst s2  }
0xb: {  	[smem:$0x3FAF] =	sst s3  }
0xc: {  	[smem:$0x3FB0] =	sst s4  }
0xd: {  	[smem:$0x3FB1] =	sst s5  }
0xe: {  	[smem:$0x3FB2] =	sst s6  }
0xf: {  	[smem:$0x3FB3] =	sst s7  }
0x10: {  	[smem:$0x3FB4] =	sst s8  }
0x11: {  	[smem:$0x3FB5] =	sst s9;
	s0 =	simm.s32 @!p0 $0x0  }
0x12: {  	s1 =	sld [smem:$0x3F9B];
	s0 =	simm.s32 @p0 $0x1  }
0x13: {  	[smem:$0x3FB6] =	sst s0;
	s0 =	simm.s32 @!p1 $0x0  }
0x14: {  	s2 =	sld [smem:$0x3F9A];
	s0 =	simm.s32 @p1 $0x1  }
0x15: {  	[smem:$0x3FB7] =	sst s0;
	s0 =	simm.s32 @!p2 $0x0  }
0x16: {  	s3 =	sld [smem:$0x3FDB];
	s0 =	simm.s32 @p2 $0x1  }
0x17: {  	s4 =	simm.s32 $0x1BF5;
	[smem:$0x3FB9] =	sst s0  }
0x18: {  	s0 =	sld [smem:$0x3F9C];
	_ =	swait.ge [sflag:s4], $0x0  }
0x19: {  	s7 =	sld [smem:$0x3F9D]  }
0x1a: {  	s8 =	sadd.s32 $0xFFFFE003, lr  }
0x1b: {  	s9 =	sadd.s32 $0xFFFFFEF7, lr;
	s5 =	simm.s32 $0xFFFFFFFF;
	p2 =	slt.u32 s8, $0xFFFFF086  }
0x1c: {  	p1 =	slt.u32 s9, $0xF7A;
	s5 =	simm.s32 @!p2 $0x0  }
0x1d: {  	s5 =	simm.s32 @p1 $0x1;
	p0 =	seq.s32 s7, s2  }
0x1e: {  	s7 =	smul.u32 @!p0 $0xF7A, s2;
	p2 =	seq.s32 @!p0 s5, $0x0  }
0x1f: {  	s9 =	smul.u32 $0xF7A, s1;
	s8 =	simm.s32 @!p0 $0x1BF5;
	p2 =	por !p2, p0  }
0x20: {  	[sflag:s8] =	ssyncset.s32 @!p0 $0xFFFFF086;
	s6 =	sadd.s32 @!p0 s3, s7;
	s7 =	simm.s32 @!p0 $0x108  }
0x21: {  	s3 =	sadd.s32 s3, s9;
	s6 =	sadd.s32 @!p0 $0x88, s6;
	s7 =	simm.s32 @p2 $0x1082  }
0x22: {  	[simem:s7], [sflag:s8] =	dma.local @!p0 [hbm:s6], $0xF7A  }
0x23: {  	s9 =	sor.u32 $0xD0000000, s2;
	s6 =	simm.s32 $0x108;
	_ =	swait.ge @!p0 [sflag:s8], $0x0  }
0x24: {  	s3 =	sadd.s32 $0x88, s3;
	s6 =	simm.s32 @!p1 $0x1082;
	[sflag:s4] =	ssyncset.s32 $0xFFFFF086  }
0x25: {  	[simem:s6], [sflag:s4] =	dma.local [hbm:s3], $0xF7A  }
0x26: {  	[smem:$0x3F9D] =	sst s1;
	(tag) =	ssettag s2;
	_ =	strace s9  }
0x27: {  	s1 =	sld [smem:$0x3FAD]  }
0x28: {  	s2 =	sld [smem:$0x3FAE]  }
0x29: {  	s4 =	sld [smem:$0x3FB0]  }
0x2a: {  	p0 =	seq.s32 s5, $0x0;
	s5 =	sld [smem:$0x3FB1]  }
0x2b: {  	s6 =	sld [smem:$0x3FB2]  }
0x2c: {  	s7 =	sld [smem:$0x3FB3]  }
0x2d: {  	s3 =	simm.s32 $0x108;
	s8 =	sld [smem:$0x3FB4]  }
0x2e: {  	s3 =	simm.s32 @!p0 $0x1082;
	s9 =	sld [smem:$0x3FB5]  }
0x2f: {  	lr =	sadd.s32 s0, s3;
	s0 =	sld [smem:$0x3FAC]  }
0x30: {  	s3 =	sld [smem:$0x3FAF]  }
0x31: {  	[smem:$0x3FB8] =	sst s10  }
0x32: {  	s10 =	sld [smem:$0x3FB6];
	_ =	sdelay $0x3  }
0x33: {  	p0 =	seq.s32 s10, $0x1;
	s10 =	sld [smem:$0x3FB8];
	_ =	sdelay $0x3  }
0x34: {  	[smem:$0x3FB8] =	sst s10  }
0x35: {  	s10 =	sld [smem:$0x3FB7];
	_ =	sdelay $0x3  }
0x36: {  	p1 =	seq.s32 s10, $0x1;
	s10 =	sld [smem:$0x3FB8];
	_ =	sdelay $0x3  }
0x37: {  	[smem:$0x3FB8] =	sst s10  }
0x38: {  	s10 =	sld [smem:$0x3FB9]  }
0x39: {  	_ = 	snop;
	(pc) =	sbr.ind lr, $3  }
0x3a: {  	_ = 	snop  }
0x3b: {  	_ = 	snop  }
0x3c: {  	p2 =	seq.s32 s10, $0x1;
	s10 =	sld [smem:$0x3FB8]  }
0x3d: {  	_ =	shalt  }
0x3e: {  	_ =	shalt  }
0x3f: {  	_ =	shalt  }
0x40: {  	_ =	shalt  }
0x41: {  	_ =	shalt  }
0x42: {  	_ =	shalt  }
0x43: {  	_ =	shalt  }
0x44: {  	_ =	shalt  }
0x45: {  	_ =	shalt  }
0x46: {  	_ =	shalt  }
0x47: {  	_ =	shalt  }
0x48: {  	_ =	shalt  }
0x49: {  	_ =	shalt  }
0x4a: {  	_ =	shalt  }
0x4b: {  	_ =	shalt  }
0x4c: {  	_ =	shalt  }
0x4d: {  	_ =	shalt  }
0x4e: {  	_ =	shalt  }
0x4f: {  	_ =	shalt  }
0x50: {  	_ =	shalt  }
0x51: {  	_ =	shalt  }
0x52: {  	_ =	shalt  }
0x53: {  	_ =	shalt  }
0x54: {  	_ =	shalt  }
0x55: {  	_ =	shalt  }
0x56: {  	_ =	shalt  }
0x57: {  	_ =	shalt  }
0x58: {  	_ =	shalt  }
0x59: {  	_ =	shalt  }
0x5a: {  	_ =	shalt  }
0x5b: {  	_ =	shalt  }
0x5c: {  	_ =	shalt  }
0x5d: {  	_ =	shalt  }
0x5e: {  	_ =	shalt  }
0x5f: {  	_ =	shalt  }
0x60: {  	_ =	shalt  }
0x61: {  	_ =	shalt  }
0x62: {  	_ =	shalt  }
0x63: {  	_ =	shalt  }
0x64: {  	_ =	shalt  }
0x65: {  	_ =	shalt  }
0x66: {  	_ =	shalt  }
0x67: {  	_ =	shalt  }
0x68: {  	_ =	shalt  }
0x69: {  	_ =	shalt  }
0x6a: {  	_ =	shalt  }
0x6b: {  	_ =	shalt  }
0x6c: {  	_ =	shalt  }
0x6d: {  	_ =	shalt  }
0x6e: {  	_ =	shalt  }
0x6f: {  	_ =	shalt  }
0x70: {  	_ =	shalt  }
0x71: {  	_ =	shalt  }
0x72: {  	_ =	shalt  }
0x73: {  	_ =	shalt  }
0x74: {  	_ =	shalt  }
0x75: {  	_ =	shalt  }
0x76: {  	_ =	shalt  }
0x77: {  	_ =	shalt  }
0x78: {  	_ =	shalt  }
0x79: {  	_ =	shalt  }
0x7a: {  	_ =	shalt  }
0x7b: {  	_ =	shalt  }
0x7c: {  	_ =	shalt  }
0x7d: {  	_ =	shalt  }
0x7e: {  	_ =	shalt  }
0x7f: {  	_ =	shalt  }
0x80: {  	_ =	shalt  }
0x81: {  	_ =	shalt  }
0x82: {  	_ =	shalt  }
0x83: {  	_ =	shalt  }
0x84: {  	_ =	shalt  }
0x85: {  	_ =	shalt  }
0x86: {  	_ =	shalt  }
0x87: {  	_ =	shalt  }
.Lfunc_end0:
.L_simem_size_0:
called_computation_lowered:
.L_overlay_start_0:
0x88: {  	s2 =	sld [smem:$0x3FD9]  }
0x89: {  	s3 =	sld [smem:$0x3FFE];
	_ =	sdelay $0x1  }
0x8a: {  	s1 =	srdreg.scid  }
0x8b: {  	s0 =	sand.u32 $0x1, s1  }
0x8c: {  	s15 =	sshll.u32 s0, $0xA;
	s2 =	sadd.s32 s3, s2  }
0x8d: {  	s2 =	sadd.s32 s2, s15  }
0x8e: {  	[smem:$0x3FC4] =	sst s2  }
0x8f: {  	_ = 	snop  }
0x90: {  	s2 =	sld [smem:$0x3FC9]  }
0x91: {  	s16 =	sld [smem:$0x3FD0]  }
0x92: {  	s4 =	sld [smem:$0x3FC8]  }
0x93: {  	s5 =	sld [smem:$0x3FC7]  }
0x94: {  	s7 =	simm.s32 $0xA;
	s8 =	simm.s32 $0x10;
	s6 =	sld [smem:$0x3FC6]  }
0x95: {  	[smem:s8], [sflag:s7] =	dma.local [hbm:s16], $0x1  }
0x96: {  	_ =	swait.eq [sflag:s7], $0x1  }
0x97: {  	s17 =	sld [smem:$0x10];
	[sflag:s7] =	ssyncset.done $0x0  }
0x98: {  	s18 =	sld [smem:$0x11];
	[sflag:s7] =	ssyncadd.s32 $0xFFFFFFFF  }
0x99: {  	s19 =	sld [smem:$0x12];
	(tm) =	ssettm $0x1  }
0x9a: {  	s9 =	sld [smem:$0x3FFB];
	_ =	sdelay $0x3  }
0x9b: {  	_ =	strace s9  }
0x9c: {  	s9 =	sld [smem:$0x3FFC];
	_ =	sdelay $0x3  }
0x9d: {  	_ =	strace s9  }
0x9e: {  	s9 =	sld [smem:$0x3FFD];
	_ =	sdelay $0x3  }
0x9f: {  	_ =	strace s9  }
0xa0: {  	_ =	strace $0x8FFFFFFF  }
0xa1: {  	s20 =	sld [smem:$0x3FDB];
	_ =	sdelay $0x1  }
0xa2: {  	s10 =	simm.s32 $_scs_section_size  }
0xa3: {  	s11 =	simm.s32 $_size__tile_overlayer_lowered;
	s12 =	simm.s32 $_tile_overlayer_lowered  }
0xa4: {  	s23 =	simm.s32 $0x1BFF;
	s22 =	sshll.u32 s12, $0x1;
	s9 =	sadd.s32 s10, s20  }
0xa5: {  	s13 =	simm.s32 $0x0;
	s21 =	sshll.u32 s11, $0x1;
	s11 =	sadd.s32 s22, s9  }
0xa6: {  	[timem:s13], [sflag:s23] =	dma.local [hbm:s11], s21  }
0xa7: {  	_ =	swait.ge [sflag:s23], s21  }
0xa8: {  	s10 =	ssub.s32 $0x0, s21;
	[sflag:s23] =	ssyncset.done $0x0  }
0xa9: {  	[sflag:s23] =	ssyncadd.s32 s10;
	_ =	sdelay $0x1  }
0xaa: {  	s24 =	simm.s32 $0x1B8B  }
0xab: {  	_ =	swait.ge [sflag:s24], $0x1  }
0xac: {  	[sflag:s24] =	ssyncset.done $0x0  }
0xad: {  	s25 =	simm.s32 $0x1B8E;
	[sflag:s24] =	ssyncadd.s32 $0xFFFFFFFF  }
0xae: {  	s26 =	simm.s32 $execute0_lowered;
	[smem:$0x3FD2] =	sst s25  }
0xaf: {  	s10 =	sshll.u32 s26, $0x1;
	_ =	strace $0x80000046;
	[dreg:$0x1] =	wrdreg $0xFFFFFFFF  }
0xb0: {  	s28 =	simm.s32 $_size_execute0_lowered;
	s9 =	sadd.s32 s9, s10;
	[dreg:$0x0] =	wrdreg $0x0  }
0xb1: {  	s10 =	sshll.u32 s28, $0x1;
	[dreg:$0x2] =	wrdreg s9  }
0xb2: {  	[dreg:$0x3] =	wrdreg s10  }
0xb3: {  	[dreg:$0x4] =	wrdreg $0xC0  }
0xb4: {  	_ =	task [dreg:s13], $0x5FFFF  }
0xb5: {  	[dreg:$0x1] =	wrdreg $0xFFFFFFFF  }
0xb6: {  	[dreg:$0x0] =	wrdreg $0x60  }
0xb7: {  	[dreg:$0x2] =	wrdreg s2  }
0xb8: {  	[dreg:$0x3] =	wrdreg s4  }
0xb9: {  	[dreg:$0x4] =	wrdreg s5  }
0xba: {  	[dreg:$0x5] =	wrdreg s6  }
0xbb: {  	[dreg:$0x6] =	wrdreg s17  }
0xbc: {  	[dreg:$0x7] =	wrdreg s18  }
0xbd: {  	[dreg:$0x8] =	wrdreg s19  }
0xbe: {  	[dreg:$0x9] =	wrdreg $0x9  }
0xbf: {  	_ =	task.clear_ibuf [dreg:s13], $0xAFFFF;
	_ =	strace $0x90000046  }
0xc0: {  	s29 =	simm.s32 $0x9;
	_ =	strace $0x80000048  }
0xc1: {  	_ =	swait.ge [sflag:s29], $0x1  }
0xc2: {  	[sflag:s29] =	ssyncadd.s32 $0xFFFFFFFF  }
0xc3: {  	_ =	strace $0x90000048  }
0xc4: {  	_ =	sfence  }
0xc5: {  	s30 =	sld [smem:$0x0];
	_ =	sdelay $0x2  }
0xc6: {  	s31 =	sshll.u32 s1, $0xD;
	s1 =	sshrl.u32 s1, $0x2  }
0xc7: {  	s3 =	sand.u32 $0x4000, s31;
	s1 =	sadd.s32 s1, s30  }
0xc8: {  	s0 =	sor.u32 s3, s0;
	s1 =	sshll.u32 s1, $0x11  }
0xc9: {  	s0 =	sor.u32 s1, s0  }
0xca: {  	s0 =	sadd.s32 $0x8F2B, s0  }
0xcb: {  	[sflag:s0] =	ssyncadd.remote.s32 $0x1  }
0xcc: {  	_ =	sfence.sel $0xFFFF  }
0xcd: {  	[dreg:$0x0] =	wrdreg $0xFFFFFFFF;
	(pc) =	sbr.abs _section_cstart, $3  }
0xce: {  	[dreg:$0x1] =	wrdreg $0xFFFFFFFF  }
0xcf: {  	_ =	task.clear_ibuf [dreg:s13], $0x2FFFF;
	_ =	strace $0x9FFFFFFF  }
0xd0: {  	(tm) =	ssettm $0x7FFFFFFF  }
0xd1: {  	_ =	shalt  }
tec
execute0_lowered:
.L_overlay_start_1:
0x0: {  	(tag) =	ssettag $0x1  }
0x1: {  	s29 =	rddreg [dreg:$0x0]  }
0x2: {  	s3 =	rddreg [dreg:$0x1]  }
0x3: {  	s0 =	rddreg [dreg:$0x2]  }
0x4: {  	s22 =	rddreg [dreg:$0x3]  }
0x5: {  	s6 =	rddreg [dreg:$0x4]  }
0x6: {  	s1 =	rddreg [dreg:$0x5]  }
0x7: {  	s19 =	rddreg [dreg:$0x7];
	s5 =	srdreg.scid  }
0x8: {  	s21 =	stileid.u32;
	[dreg:$0x8] =	wrdreg s0  }
0x9: {  	s2 =	simm.s32 $0x0;
	s30 =	simm.s32 $0x1;
	[dreg:$0x9] =	wrdreg s22  }
0xa: {  	s31 =	simm.s32 $0x2;
	s28 =	simm.s32 $0x4;
	s0 =	rddreg [dreg:$0x6]  }
0xb: {  	s5 =	sand.u32 $0x1, s5;
	s7 =	sshll.u32 s21, $0x1;
	[smem:$0x7FF] =	sst s2  }
0xc: {  	s8 =	ssub.s32 $0x2, s5;
	s7 =	sor.u32 s5, s7;
	_ =	strace $0x80000047  }
0xd: {  	s23 =	sshrl.u32 s8, $0x1;
	s9 =	sshll.u32 s7, $0x5;
	s10 =	smul.u32 $0x7D, s7  }
0xe: {  	s12 =	sshll.u32 s7, $0xD;
	s17 =	smul.u32 $0x19, s7;
	s7 =	sshll.u32 s7, $0xA  }
0xf: {  	s5 =	ssub.s32 s8, s23;
	s8 =	sor.u32 $0x8, s9;
	s11 =	sor.u32 $0x10, s9  }
0x10: {  	s9 =	sor.u32 $0x18, s9;
	[dreg:$0xa] =	wrdreg s12;
	s7 =	sadd.s32 s6, s7  }
0x11: {  	s13 =	sshrl.u32 s10, $0x5;
	s24 =	sshll.u32 s8, $0x8;
	[dreg:$0x13] =	wrdreg s7  }
0x12: {  	s25 =	sshll.u32 s11, $0x8;
	s26 =	sshll.u32 s9, $0x8;
	[dreg:$0xb] =	wrdreg s24  }
0x13: {  	s8 =	sshll.u32 s8, $0x5;
	s9 =	sshll.u32 s9, $0x5;
	[dreg:$0xc] =	wrdreg s25  }
0x14: {  	s12 =	sadd.s32 $0x19, s17;
	s14 =	sshll.u32 s13, $0x3;
	[dreg:$0xd] =	wrdreg s26  }
0x15: {  	s4 =	sshll.u32 s13, $0xD;
	s24 =	sadd.s32 $0x7D, s10;
	s25 =	sadd.s32 s6, s8  }
0x16: {  	s10 =	sshll.u32 s10, $0x5;
	s15 =	sadd.s32 $0x8, s14;
	s16 =	sadd.s32 $0x10, s14  }
0x17: {  	[dreg:$0xe] =	wrdreg s4;
	s14 =	sadd.s32 $0x18, s14;
	s26 =	sshrl.u32 s24, $0x5  }
0x18: {  	[dreg:$0x14] =	wrdreg s25;
	s4 =	sshll.u32 s11, $0x5;
	s10 =	sand.u32 $0x1FC00, s10  }
0x19: {  	s24 =	smax.u32 s5, $0x1;
	s25 =	simm.s32 $0xA;
	s18 =	sshll.u32 s15, $0xA  }
0x1a: {  	s20 =	sshll.u32 s16, $0xA;
	s22 =	sshll.u32 s14, $0xA;
	[dreg:$0xf] =	wrdreg s18  }
0x1b: {  	s7 =	sadd.s32 s6, s4;
	s6 =	sadd.s32 s6, s9;
	[dreg:$0x10] =	wrdreg s20  }
0x1c: {  	s8 =	ssub.s32 s26, s13;
	s11 =	sadd.s32 s1, s10;
	[dreg:$0x11] =	wrdreg s22  }
0x1d: {  	s13 =	sshll.u32 s15, $0x7;
	s15 =	sshll.u32 s16, $0x7;
	[dreg:$0x15] =	wrdreg s7  }
0x1e: {  	s26 =	simm.s32 $0x1880;
	s18 =	sshrl.u32 s17, $0x5;
	[dreg:$0x16] =	wrdreg s6  }
0x1f: {  	[dreg:$0x17] =	wrdreg s11;
	s6 =	sadd.s32 s1, s13;
	p0 =	slt.s32 s8, $0x1  }
0x20: {  	s16 =	sadd.s32 s1, s15;
	s7 =	sshrl.u32 s12, $0x5;
	s20 =	sshll.u32 s14, $0x7  }
0x21: {  	s22 =	sshll.u32 s17, $0x5;
	s17 =	simm.s32 $0x13;
	s15 =	simm.s32 $0x80  }
0x22: {  	s14 =	simm.s32 $0x880;
	s12 =	simm.s32 $0x1080;
	s13 =	sadd.s32 $0xFFFFFFFF, s24  }
0x23: {  	s24 =	simm.s32 $0xB;
	[dreg:$0x18] =	wrdreg s6;
	p3 =	slt.s32 @!p0 s8, $0x2  }
0x24: {  	s23 =	sshll.u32 s18, $0xD;
	[dreg:$0x19] =	wrdreg s16;
	p1 =	por p3, p0  }
0x25: {  	s1 =	sadd.s32 s1, s20;
	s16 =	simm.s32 $0x3;
	p4 =	slt.s32 @!p1 s8, $0x3  }
0x26: {  	p6 =	sne.s32 s13, $0x0;
	s20 =	rddreg [dreg:$0x9];
	p2 =	por @!p0 p4, p3  }
.Ltmp0:
0x27: {  	[dreg:$0x12] =	wrdreg s23;
	p2 =	por p2, p0;
	(pc) =	sbr.rel @!p6 .LBB2_1-.Ltmp0, $4  }
0x28: {  	s23 =	sand.u32 $0x7C00, s22;
	[dreg:$0x1a] =	wrdreg s1;
	p5 =	slt.s32 @!p2 s8, $0x4  }
0x29: {  	s22 =	simm.s32 $0xD;
	s0 =	sadd.s32 s0, s23;
	p4 =	por @!p1 p5, p4  }
0x2a: {  	s23 =	simm.s32 $0xC;
	[dreg:$0x1b] =	wrdreg s0;
	p3 =	por @!p0 p4, p3  }
0x2b: {  	p5 =	por $0x0, $0x0;
	p4 =	por p3, p0;
	p3 =	sle.u32 s7, s18  }
0x2c: {  	[tilespmem:s2], [sflag:$0x13] =	stream.linear.gather [hbm4b:s20+s2], $0x1, $0x38;
	[tilespmem:$0xC080] =	vst v63  }
0x2d: {  	_ =	swait.ge [sflag:s17], $0x1  }
0x2e: {  	[sflag:s17] =	ssyncset.done $0x0  }
0x2f: {  	[sflag:s17] =	ssyncadd.s32 $0xFFFFFFFF  }
0x30: {  	v0 =	vld [tilespmem:$0x0];
	_ =	sdelay $0x4  }
0x31: {  	(v2sf) =	vpush v0, $0x0;
	_ =	sdelay $0xa  }
0x32: {  	s0 =	rddreg [dreg:$0x12]  }
0x33: {  	s1 =	rddreg [dreg:$0x11]  }
0x34: {  	s5 =	simm.s32 @!p2 $0x0;
	s9 =	rddreg [dreg:$0x10]  }
0x35: {  	s6 =	simm.s32 @!p2 $0x6080;
	s7 =	simm.s32 @!p1 $0x0;
	s10 =	rddreg [dreg:$0xf]  }
0x36: {  	s8 =	simm.s32 @!p1 $0x4080;
	s11 =	rddreg [dreg:$0xc];
	s19 =	spop (v2sf)  }
0x37: {  	s18 =	rddreg [dreg:$0xb];
	p5 =	seq.s32 s19, $0x0;
	s19 =	sadd.s32 $0xFFFFFFFF, s19  }
0x38: {  	s21 =	simm.s32 @!p0 $0x2080;
	s20 =	rddreg [dreg:$0xa];
	s19 =	simm.s32 @p5 $0x31  }
0x39: {  	s4 =	simm.s32 @!p0 $0x0;
	s24 =	rddreg [dreg:$0xe];
	s25 =	sshll.u32 s19, $0x12  }
0x3a: {  	s26 =	rddreg [dreg:$0xd];
	s28 =	smul.u32 @!p0 $0xFA000, s19;
	s20 =	sor.u32 s20, s25  }
0x3b: {  	s18 =	sor.u32 s18, s25;
	s11 =	sor.u32 s11, s25;
	s25 =	sor.u32 s26, s25  }
0x3c: {  	s26 =	simm.s32 $0x1880;
	s20 =	sshrl.u32 s20, $0x3;
	s18 =	sshrl.u32 s18, $0x3  }
0x3d: {  	s11 =	sshrl.u32 s11, $0x3;
	s24 =	sadd.s32 @!p0 s24, s28;
	s20 =	sadd.s32 s29, s20  }
0x3e: {  	[tilespmem:s15], [sflag:$0x1] =	stream.linear.gather [hbm4b:s20+s2], $0x800, $0x38;
	[tilespmem:$0xC080] =	vst v63  }
0x3f: {  	s10 =	sadd.s32 @!p1 s10, s28;
	s9 =	sadd.s32 @!p2 s9, s28;
	s18 =	sadd.s32 s29, s18  }
0x40: {  	[tilespmem:s14], [sflag:$0x2] =	stream.linear.gather [hbm4b:s18+s2], $0x800, $0x38;
	[tilespmem:$0xC080] =	vst v63  }
0x41: {  	s1 =	sadd.s32 @!p4 s1, s28;
	s11 =	sadd.s32 s29, s11;
	s20 =	sshrl.u32 s25, $0x3  }
0x42: {  	[tilespmem:s12], [sflag:$0x3] =	stream.linear.gather [hbm4b:s11+s2], $0x800, $0x38;
	[tilespmem:$0xC080] =	vst v63  }
0x43: {  	s24 =	sshrl.u32 @!p0 s24, $0x3;
	s10 =	sshrl.u32 @!p1 s10, $0x3;
	s20 =	sadd.s32 s29, s20  }
0x44: {  	[tilespmem:s26], [sflag:$0x4] =	stream.linear.gather [hbm4b:s20+s2], $0x800, $0x38;
	[tilespmem:$0xC080] =	vst v63  }
0x45: {  	s9 =	sshrl.u32 @!p2 s9, $0x3;
	s1 =	sshrl.u32 @!p4 s1, $0x3;
	s11 =	sadd.s32 @!p0 s3, s24  }
0x46: {  	[tilespmem:s21], [sflag:$0x5] =	stream.linear.gather @!p0 [hbm4b:s11+s4], $0x2000, $0x38;
	[tilespmem:$0xC080] =	vst v63  }
0x47: {  	s10 =	sadd.s32 @!p1 s3, s10;
	s9 =	sadd.s32 @!p2 s3, s9;
	s18 =	smul.u32 @!p3 $0x32000, s19  }
0x48: {  	[tilespmem:s8], [sflag:$0x6] =	stream.linear.gather @!p1 [hbm4b:s10+s7], $0x2000, $0x38;
	[tilespmem:$0xC080] =	vst v63  }
0x49: {  	s1 =	sadd.s32 @!p4 s3, s1;
	s0 =	sadd.s32 @!p3 s0, s18;
	s18 =	simm.s32 @!p4 $0x8080  }
0x4a: {  	[tilespmem:s6], [sflag:$0x7] =	stream.linear.gather @!p2 [hbm4b:s9+s5], $0x2000, $0x38;
	[tilespmem:$0xC080] =	vst v63  }
0x4b: {  	s0 =	sshrl.u32 @!p3 s0, $0x3;
	s11 =	simm.s32 @!p4 $0x0;
	s10 =	rddreg [dreg:$0x8]  }
0x4c: {  	[tilespmem:s18], [sflag:$0x8] =	stream.linear.gather @!p4 [hbm4b:s1+s11], $0x2000, $0x38;
	[tilespmem:$0xC080] =	vst v63  }
0x4d: {  	s19 =	simm.s32 @!p3 $0xA080;
	s0 =	sadd.s32 @!p3 s10, s0;
	s10 =	simm.s32 @!p3 $0x0  }
0x4e: {  	[tilespmem:s19], [sflag:$0x9] =	stream.linear.gather @!p3 [hbm4b:s0+s10], $0x2000, $0x38;
	[tilespmem:$0xC080] =	vst v63  }
0x4f: {  	_ =	swait.ge [sflag:s30], $0x800  }
0x50: {  	[sflag:s30] =	ssyncset.done $0x0  }
0x51: {  	s9 =	rddreg [dreg:$0x13];
	[sflag:s30] =	ssyncadd.s32 $0xFFFFF800  }
0x52: {  	[hbm4b:s9+s2] =	stream.linear.scatter [tilespmem:s15], [sflag:$0xA], $0x800, $0x38;
	[tilespmem:$0xC080] =	vst v63  }
0x53: {  	_ =	swait.ge [sflag:s31], $0x800  }
0x54: {  	[sflag:s31] =	ssyncset.done $0x0  }
0x55: {  	s20 =	rddreg [dreg:$0x14];
	[sflag:s31] =	ssyncadd.s32 $0xFFFFF800  }
0x56: {  	[hbm4b:s20+s2] =	stream.linear.scatter [tilespmem:s14], [sflag:$0xB], $0x800, $0x38;
	[tilespmem:$0xC080] =	vst v63  }
0x57: {  	_ =	swait.ge [sflag:s16], $0x800  }
0x58: {  	[sflag:s16] =	ssyncset.done $0x0  }
0x59: {  	s28 =	simm.s32 $0x4;
	s30 =	rddreg [dreg:$0x15];
	[sflag:s16] =	ssyncadd.s32 $0xFFFFF800  }
0x5a: {  	[hbm4b:s30+s2] =	stream.linear.scatter [tilespmem:s12], [sflag:$0xC], $0x800, $0x38;
	[tilespmem:$0xC080] =	vst v63  }
0x5b: {  	_ =	swait.ge [sflag:s28], $0x800  }
0x5c: {  	[sflag:s28] =	ssyncset.done $0x0  }
0x5d: {  	s1 =	simm.s32 @!p0 $0x5;
	s31 =	rddreg [dreg:$0x16];
	[sflag:s28] =	ssyncadd.s32 $0xFFFFF800  }
0x5e: {  	[hbm4b:s31+s2] =	stream.linear.scatter [tilespmem:s26], [sflag:$0xD], $0x800, $0x38;
	[tilespmem:$0xC080] =	vst v63  }
0x5f: {  	_ =	swait.ge @!p0 [sflag:s1], $0x2000  }
0x60: {  	[sflag:s1] =	ssyncset.done @!p0 $0x0  }
0x61: {  	s0 =	rddreg [dreg:$0x17];
	[sflag:s1] =	ssyncadd.s32 @!p0 $0xFFFFE000;
	s1 =	simm.s32 @!p1 $0x6  }
0x62: {  	[hbm4b:s0+s4] =	stream.linear.scatter @!p0 [tilespmem:s21], [sflag:$0xE], $0x2000, $0x38;
	[tilespmem:$0xC080] =	vst v63  }
0x63: {  	_ =	swait.ge @!p1 [sflag:s1], $0x2000  }
0x64: {  	s4 =	smov.u32 s3;
	[sflag:s1] =	ssyncset.done @!p1 $0x0  }
0x65: {  	s3 =	simm.s32 @!p2 $0x7;
	s0 =	rddreg [dreg:$0x18];
	[sflag:s1] =	ssyncadd.s32 @!p1 $0xFFFFE000  }
0x66: {  	[hbm4b:s0+s7] =	stream.linear.scatter @!p1 [tilespmem:s8], [sflag:$0xF], $0x2000, $0x38;
	[tilespmem:$0xC080] =	vst v63  }
0x67: {  	_ =	swait.ge @!p2 [sflag:s3], $0x2000  }
0x68: {  	[sflag:s3] =	ssyncset.done @!p2 $0x0  }
0x69: {  	s0 =	simm.s32 @!p4 $0x8;
	s1 =	rddreg [dreg:$0x19];
	[sflag:s3] =	ssyncadd.s32 @!p2 $0xFFFFE000  }
0x6a: {  	[hbm4b:s1+s5] =	stream.linear.scatter @!p2 [tilespmem:s6], [sflag:$0x10], $0x2000, $0x38;
	[tilespmem:$0xC080] =	vst v63  }
0x6b: {  	_ =	swait.ge @!p4 [sflag:s0], $0x2000  }
0x6c: {  	[sflag:s0] =	ssyncset.done @!p4 $0x0  }
0x6d: {  	s1 =	simm.s32 @!p3 $0x9;
	s9 =	rddreg [dreg:$0x1a];
	[sflag:s0] =	ssyncadd.s32 @!p4 $0xFFFFE000  }
0x6e: {  	[hbm4b:s9+s11] =	stream.linear.scatter @!p4 [tilespmem:s18], [sflag:$0x11], $0x2000, $0x38;
	[tilespmem:$0xC080] =	vst v63  }
0x6f: {  	_ =	swait.ge @!p3 [sflag:s1], $0x2000  }
0x70: {  	[sflag:s1] =	ssyncset.done @!p3 $0x0  }
0x71: {  	s25 =	simm.s32 $0xA;
	s9 =	rddreg [dreg:$0x1b];
	[sflag:s1] =	ssyncadd.s32 @!p3 $0xFFFFE000  }
0x72: {  	[hbm4b:s9+s10] =	stream.linear.scatter @!p3 [tilespmem:s19], [sflag:$0x12], $0x2000, $0x38;
	[tilespmem:$0xC080] =	vst v63  }
0x73: {  	_ =	swait.ge [sflag:s25], $0x800  }
0x74: {  	[sflag:s25] =	ssyncset.done $0x0  }
0x75: {  	s24 =	simm.s32 $0xB;
	[sflag:s25] =	ssyncadd.s32 $0xFFFFF800  }
0x76: {  	_ =	swait.ge [sflag:s24], $0x800  }
0x77: {  	[sflag:s24] =	ssyncset.done $0x0  }
0x78: {  	[sflag:s24] =	ssyncadd.s32 $0xFFFFF800  }
0x79: {  	_ =	swait.ge [sflag:s23], $0x800  }
0x7a: {  	[sflag:s23] =	ssyncset.done $0x0  }
0x7b: {  	[sflag:s23] =	ssyncadd.s32 $0xFFFFF800  }
0x7c: {  	_ =	swait.ge [sflag:s22], $0x800  }
0x7d: {  	[sflag:s22] =	ssyncset.done $0x0  }
0x7e: {  	s9 =	simm.s32 @!p0 $0xE;
	[sflag:s22] =	ssyncadd.s32 $0xFFFFF800  }
0x7f: {  	_ =	swait.ge @!p0 [sflag:s9], $0x2000  }
0x80: {  	[sflag:s9] =	ssyncset.done @!p0 $0x0  }
0x81: {  	s10 =	simm.s32 @!p1 $0xF;
	[sflag:s9] =	ssyncadd.s32 @!p0 $0xFFFFE000  }
0x82: {  	_ =	swait.ge @!p1 [sflag:s10], $0x2000  }
0x83: {  	[sflag:s10] =	ssyncset.done @!p1 $0x0  }
0x84: {  	s11 =	simm.s32 @!p2 $0x10;
	[sflag:s10] =	ssyncadd.s32 @!p1 $0xFFFFE000  }
0x85: {  	_ =	swait.ge @!p2 [sflag:s11], $0x2000  }
0x86: {  	s19 =	sadd.s32 $0xFFFFFFFF, s13;
	[sflag:s11] =	ssyncset.done @!p2 $0x0  }
0x87: {  	s18 =	simm.s32 @!p4 $0x11;
	p6 =	sne.s32 s19, $0x0;
	[sflag:s11] =	ssyncadd.s32 @!p2 $0xFFFFE000  }
.Ltmp1:
0x88: {  	_ =	swait.ge @!p4 [sflag:s18], $0x2000;
	(pc) =	sbr.rel @!p6 .LBB2_7-.Ltmp1, $4  }
0x89: {  	[sflag:s18] =	ssyncset.done @!p4 $0x0  }
0x8a: {  	s13 =	simm.s32 @!p3 $0x12;
	[sflag:s18] =	ssyncadd.s32 @!p4 $0xFFFFE000  }
0x8b: {  	_ =	swait.ge @!p3 [sflag:s13], $0x2000  }
0x8c: {  	s20 =	rddreg [dreg:$0x9];
	[sflag:s13] =	ssyncset.done @!p3 $0x0  }
0x8d: {  	s30 =	simm.s32 $0x1080  }
.LBB2_4:
0x8e: {  	[sflag:s13] =	ssyncadd.s32 @!p3 $0xFFFFE000  }
0x8f: {  	[tilespmem:s2], [sflag:$0x13] =	stream.linear.gather [hbm4b:s20+s2], $0x1, $0x38;
	[tilespmem:$0xC080] =	vst v63  }
0x90: {  	_ =	swait.ge [sflag:s17], $0x1  }
0x91: {  	[sflag:s17] =	ssyncset.done $0x0  }
0x92: {  	[sflag:s17] =	ssyncadd.s32 $0xFFFFFFFF  }
0x93: {  	v0 =	vld [tilespmem:$0x0];
	_ =	sdelay $0x4  }
0x94: {  	(v2sf) =	vpush v0, $0x0;
	_ =	sdelay $0x9  }
0x95: {  	s20 =	rddreg [dreg:$0x12]  }
0x96: {  	s21 =	rddreg [dreg:$0x11]  }
0x97: {  	s22 =	rddreg [dreg:$0x10]  }
0x98: {  	s23 =	rddreg [dreg:$0xf]  }
0x99: {  	s31 =	simm.s32 $0x80;
	s14 =	simm.s32 $0x880;
	s5 =	rddreg [dreg:$0xc]  }
0x9a: {  	s16 =	simm.s32 @!p0 $0x0;
	s6 =	rddreg [dreg:$0xb];
	s7 =	spop (v2sf)  }
0x9b: {  	s8 =	rddreg [dreg:$0xa];
	p5 =	seq.s32 s7, $0x0;
	s7 =	sadd.s32 $0xFFFFFFFF, s7  }
0x9c: {  	s15 =	simm.s32 @!p1 $0x0;
	s24 =	rddreg [dreg:$0xe];
	s7 =	simm.s32 @p5 $0x31  }
0x9d: {  	s12 =	simm.s32 @!p4 $0x8080;
	s26 =	rddreg [dreg:$0xd];
	s28 =	smul.u32 @!p0 $0xFA000, s7  }
0x9e: {  	s17 =	simm.s32 @!p1 $0x4080;
	s25 =	sshll.u32 s7, $0x12;
	s7 =	smul.u32 @!p3 $0x32000, s7  }
0x9f: {  	s8 =	sor.u32 s8, s25;
	s6 =	sor.u32 s6, s25;
	s5 =	sor.u32 s5, s25  }
0xa0: {  	s25 =	sor.u32 s26, s25;
	s26 =	simm.s32 $0x1880;
	s8 =	sshrl.u32 s8, $0x3  }
0xa1: {  	s6 =	sshrl.u32 s6, $0x3;
	s5 =	sshrl.u32 s5, $0x3;
	s24 =	sadd.s32 @!p0 s24, s28  }
0xa2: {  	s0 =	sshrl.u32 s25, $0x3;
	s22 =	sadd.s32 @!p2 s22, s28;
	s8 =	sadd.s32 s29, s8  }
0xa3: {  	[tilespmem:s31], [sflag:$0x1] =	stream.linear.gather [hbm4b:s8+s2], $0x800, $0x38;
	[tilespmem:$0xC080] =	vst v63  }
0xa4: {  	s21 =	sadd.s32 @!p4 s21, s28;
	s7 =	sadd.s32 @!p3 s20, s7;
	s6 =	sadd.s32 s29, s6  }
0xa5: {  	[tilespmem:s14], [sflag:$0x2] =	stream.linear.gather [hbm4b:s6+s2], $0x800, $0x38;
	[tilespmem:$0xC080] =	vst v63  }
0xa6: {  	s20 =	simm.s32 @!p2 $0x0;
	s24 =	sshrl.u32 @!p0 s24, $0x3;
	s5 =	sadd.s32 s29, s5  }
0xa7: {  	[tilespmem:s30], [sflag:$0x3] =	stream.linear.gather [hbm4b:s5+s2], $0x800, $0x38;
	[tilespmem:$0xC080] =	vst v63  }
0xa8: {  	s3 =	sadd.s32 s29, s0;
	s7 =	sshrl.u32 @!p3 s7, $0x3;
	s6 =	sadd.s32 @!p1 s23, s28  }
0xa9: {  	[tilespmem:s26], [sflag:$0x4] =	stream.linear.gather [hbm4b:s3+s2], $0x800, $0x38;
	[tilespmem:$0xC080] =	vst v63  }
0xaa: {  	s6 =	sshrl.u32 @!p1 s6, $0x3;
	s5 =	sadd.s32 @!p0 s4, s24;
	s3 =	simm.s32 @!p0 $0x2080  }
0xab: {  	[tilespmem:s3], [sflag:$0x5] =	stream.linear.gather @!p0 [hbm4b:s5+s16], $0x2000, $0x38;
	[tilespmem:$0xC080] =	vst v63  }
0xac: {  	s0 =	simm.s32 $0x1;
	s8 =	sshrl.u32 @!p2 s22, $0x3;
	s5 =	sadd.s32 @!p1 s4, s6  }
0xad: {  	[tilespmem:s17], [sflag:$0x6] =	stream.linear.gather @!p1 [hbm4b:s5+s15], $0x2000, $0x38;
	[tilespmem:$0xC080] =	vst v63  }
0xae: {  	s6 =	sshrl.u32 @!p4 s21, $0x3;
	s21 =	simm.s32 @!p2 $0x6080;
	s5 =	sadd.s32 @!p2 s4, s8  }
0xaf: {  	[tilespmem:s21], [sflag:$0x7] =	stream.linear.gather @!p2 [hbm4b:s5+s20], $0x2000, $0x38;
	[tilespmem:$0xC080] =	vst v63  }
0xb0: {  	s8 =	rddreg [dreg:$0x8];
	s5 =	sadd.s32 @!p4 s4, s6;
	s6 =	simm.s32 @!p4 $0x0  }
0xb1: {  	[tilespmem:s12], [sflag:$0x8] =	stream.linear.gather @!p4 [hbm4b:s5+s6], $0x2000, $0x38;
	[tilespmem:$0xC080] =	vst v63  }
0xb2: {  	s5 =	sadd.s32 @!p3 s8, s7;
	s7 =	simm.s32 @!p3 $0x0;
	s8 =	simm.s32 @!p3 $0xA080  }
0xb3: {  	[tilespmem:s8], [sflag:$0x9] =	stream.linear.gather @!p3 [hbm4b:s5+s7], $0x2000, $0x38;
	[tilespmem:$0xC080] =	vst v63  }
0xb4: {  	_ =	swait.ge [sflag:s0], $0x800  }
0xb5: {  	[sflag:s0] =	ssyncset.done $0x0  }
0xb6: {  	s5 =	rddreg [dreg:$0x13];
	[sflag:s0] =	ssyncadd.s32 $0xFFFFF800  }
0xb7: {  	[hbm4b:s5+s2] =	stream.linear.scatter [tilespmem:s31], [sflag:$0xA], $0x800, $0x38;
	[tilespmem:$0xC080] =	vst v63  }
0xb8: {  	s5 =	simm.s32 $0x2  }
0xb9: {  	_ =	swait.ge [sflag:s5], $0x800  }
0xba: {  	[sflag:s5] =	ssyncset.done $0x0  }
0xbb: {  	s31 =	simm.s32 $0x3;
	s0 =	rddreg [dreg:$0x14];
	[sflag:s5] =	ssyncadd.s32 $0xFFFFF800  }
0xbc: {  	[hbm4b:s0+s2] =	stream.linear.scatter [tilespmem:s14], [sflag:$0xB], $0x800, $0x38;
	[tilespmem:$0xC080] =	vst v63  }
0xbd: {  	_ =	swait.ge [sflag:s31], $0x800  }
0xbe: {  	[sflag:s31] =	ssyncset.done $0x0  }
0xbf: {  	s28 =	simm.s32 $0x4;
	s0 =	rddreg [dreg:$0x15];
	[sflag:s31] =	ssyncadd.s32 $0xFFFFF800  }
0xc0: {  	[hbm4b:s0+s2] =	stream.linear.scatter [tilespmem:s30], [sflag:$0xC], $0x800, $0x38;
	[tilespmem:$0xC080] =	vst v63  }
0xc1: {  	_ =	swait.ge [sflag:s28], $0x800  }
0xc2: {  	[sflag:s28] =	ssyncset.done $0x0  }
0xc3: {  	s14 =	simm.s32 @!p0 $0x5;
	s31 =	rddreg [dreg:$0x16];
	[sflag:s28] =	ssyncadd.s32 $0xFFFFF800  }
0xc4: {  	[hbm4b:s31+s2] =	stream.linear.scatter [tilespmem:s26], [sflag:$0xD], $0x800, $0x38;
	[tilespmem:$0xC080] =	vst v63  }
0xc5: {  	_ =	swait.ge @!p0 [sflag:s14], $0x2000  }
0xc6: {  	[sflag:s14] =	ssyncset.done @!p0 $0x0  }
0xc7: {  	s0 =	simm.s32 @!p1 $0x6;
	s5 =	rddreg [dreg:$0x17];
	[sflag:s14] =	ssyncadd.s32 @!p0 $0xFFFFE000  }
0xc8: {  	[hbm4b:s5+s16] =	stream.linear.scatter @!p0 [tilespmem:s3], [sflag:$0xE], $0x2000, $0x38;
	[tilespmem:$0xC080] =	vst v63  }
0xc9: {  	_ =	swait.ge @!p1 [sflag:s0], $0x2000  }
0xca: {  	[sflag:s0] =	ssyncset.done @!p1 $0x0  }
0xcb: {  	s5 =	rddreg [dreg:$0x18];
	[sflag:s0] =	ssyncadd.s32 @!p1 $0xFFFFE000;
	s0 =	simm.s32 @!p2 $0x7  }
0xcc: {  	[hbm4b:s5+s15] =	stream.linear.scatter @!p1 [tilespmem:s17], [sflag:$0xF], $0x2000, $0x38;
	[tilespmem:$0xC080] =	vst v63  }
0xcd: {  	_ =	swait.ge @!p2 [sflag:s0], $0x2000  }
0xce: {  	[sflag:s0] =	ssyncset.done @!p2 $0x0  }
0xcf: {  	s5 =	rddreg [dreg:$0x19];
	[sflag:s0] =	ssyncadd.s32 @!p2 $0xFFFFE000;
	s0 =	simm.s32 @!p4 $0x8  }
0xd0: {  	[hbm4b:s5+s20] =	stream.linear.scatter @!p2 [tilespmem:s21], [sflag:$0x10], $0x2000, $0x38;
	[tilespmem:$0xC080] =	vst v63  }
0xd1: {  	_ =	swait.ge @!p4 [sflag:s0], $0x2000  }
0xd2: {  	[sflag:s0] =	ssyncset.done @!p4 $0x0  }
0xd3: {  	s5 =	rddreg [dreg:$0x1a];
	[sflag:s0] =	ssyncadd.s32 @!p4 $0xFFFFE000  }
0xd4: {  	[hbm4b:s5+s6] =	stream.linear.scatter @!p4 [tilespmem:s12], [sflag:$0x11], $0x2000, $0x38;
	[tilespmem:$0xC080] =	vst v63  }
0xd5: {  	_ =	swait.ge @!p3 [sflag:s1], $0x2000  }
0xd6: {  	[sflag:s1] =	ssyncset.done @!p3 $0x0  }
0xd7: {  	s25 =	simm.s32 $0xA;
	s5 =	rddreg [dreg:$0x1b];
	[sflag:s1] =	ssyncadd.s32 @!p3 $0xFFFFE000  }
0xd8: {  	[hbm4b:s5+s7] =	stream.linear.scatter @!p3 [tilespmem:s8], [sflag:$0x12], $0x2000, $0x38;
	[tilespmem:$0xC080] =	vst v63  }
0xd9: {  	_ =	swait.ge [sflag:s25], $0x800  }
0xda: {  	[sflag:s25] =	ssyncset.done $0x0  }
0xdb: {  	s24 =	simm.s32 $0xB;
	[sflag:s25] =	ssyncadd.s32 $0xFFFFF800  }
0xdc: {  	_ =	swait.ge [sflag:s24], $0x800  }
0xdd: {  	[sflag:s24] =	ssyncset.done $0x0  }
0xde: {  	s23 =	simm.s32 $0xC;
	[sflag:s24] =	ssyncadd.s32 $0xFFFFF800  }
0xdf: {  	_ =	swait.ge [sflag:s23], $0x800  }
0xe0: {  	[sflag:s23] =	ssyncset.done $0x0  }
0xe1: {  	s22 =	simm.s32 $0xD;
	[sflag:s23] =	ssyncadd.s32 $0xFFFFF800  }
0xe2: {  	_ =	swait.ge [sflag:s22], $0x800  }
0xe3: {  	[sflag:s22] =	ssyncset.done $0x0  }
0xe4: {  	[sflag:s22] =	ssyncadd.s32 $0xFFFFF800  }
0xe5: {  	_ =	swait.ge @!p0 [sflag:s9], $0x2000  }
0xe6: {  	[sflag:s9] =	ssyncset.done @!p0 $0x0  }
0xe7: {  	[sflag:s9] =	ssyncadd.s32 @!p0 $0xFFFFE000  }
0xe8: {  	_ =	swait.ge @!p1 [sflag:s10], $0x2000  }
0xe9: {  	[sflag:s10] =	ssyncset.done @!p1 $0x0  }
0xea: {  	[sflag:s10] =	ssyncadd.s32 @!p1 $0xFFFFE000  }
0xeb: {  	_ =	swait.ge @!p2 [sflag:s11], $0x2000  }
0xec: {  	s19 =	sadd.s32 $0xFFFFFFFF, s19;
	[sflag:s11] =	ssyncset.done @!p2 $0x0  }
0xed: {  	p6 =	sne.s32 s19, $0x0;
	[sflag:s11] =	ssyncadd.s32 @!p2 $0xFFFFE000  }
.Ltmp2:
0xee: {  	_ =	swait.ge @!p4 [sflag:s18], $0x2000;
	(pc) =	sbr.rel @p6 .LBB2_4-.Ltmp2, $4  }
0xef: {  	[sflag:s18] =	ssyncset.done @!p4 $0x0  }
0xf0: {  	[sflag:s18] =	ssyncadd.s32 @!p4 $0xFFFFE000  }
0xf1: {  	_ =	swait.ge @!p3 [sflag:s13], $0x2000  }
0xf2: {  	s17 =	simm.s32 $0x13;
	s20 =	rddreg [dreg:$0x9];
	[sflag:s13] =	ssyncset.done @!p3 $0x0  }
0xf3: {  	s19 =	rddreg [dreg:$0x7]  }
0xf4: {  	s21 =	stileid.u32;
	s12 =	simm.s32 $0x1080;
	s14 =	simm.s32 $0x880  }
0xf5: {  	s15 =	simm.s32 $0x80;
	s16 =	simm.s32 $0x3;
	s31 =	simm.s32 $0x2  }
0xf6: {  	s30 =	simm.s32 $0x1;
	s3 =	smov.u32 s4;
	p5 =	por $0x1, $0x1  }
.LBB2_6:
0xf7: {  	p5 =	por p3, !p5  }
0xf8: {  	[sflag:s13] =	ssyncadd.s32 @!p5 $0xFFFFE000  }
0xf9: {  	[tilespmem:s2], [sflag:$0x13] =	stream.linear.gather [hbm4b:s20+s2], $0x1, $0x38;
	[tilespmem:$0xC080] =	vst v63  }
0xfa: {  	_ =	swait.ge [sflag:s17], $0x1  }
0xfb: {  	[sflag:s17] =	ssyncset.done $0x0  }
0xfc: {  	[sflag:s17] =	ssyncadd.s32 $0xFFFFFFFF  }
0xfd: {  	v0 =	vld [tilespmem:$0x0];
	_ =	sdelay $0x4  }
0xfe: {  	(v2sf) =	vpush v0, $0x0;
	_ =	sdelay $0xb  }
0xff: {  	s11 =	rddreg [dreg:$0xa]  }
0x100: {  	s5 =	rddreg [dreg:$0xb]  }
0x101: {  	s6 =	rddreg [dreg:$0x12]  }
0x102: {  	s8 =	rddreg [dreg:$0x11];
	s0 =	spop (v2sf)  }
0x103: {  	s9 =	rddreg [dreg:$0xc];
	p5 =	seq.s32 s0, $0x0;
	s1 =	sadd.s32 $0xFFFFFFFF, s0  }
0x104: {  	s10 =	rddreg [dreg:$0xe];
	s1 =	simm.s32 @p5 $0x31  }
0x105: {  	s13 =	rddreg [dreg:$0xd];
	s7 =	sshll.u32 s1, $0x12  }
0x106: {  	s0 =	sor.u32 s11, s7;
	s5 =	sor.u32 s5, s7;
	s11 =	smul.u32 @!p0 $0xFA000, s1  }
0x107: {  	s9 =	sor.u32 s9, s7;
	s1 =	smul.u32 @!p3 $0x32000, s1;
	s0 =	sshrl.u32 s0, $0x3  }
0x108: {  	s5 =	sshrl.u32 s5, $0x3;
	s9 =	sshrl.u32 s9, $0x3;
	s0 =	sadd.s32 s29, s0  }
0x109: {  	s5 =	sadd.s32 s29, s5;
	s10 =	sadd.s32 @!p0 s10, s11;
	s18 =	sadd.s32 s29, s9  }
0x10a: {  	s8 =	sadd.s32 @!p4 s8, s11;
	s1 =	sadd.s32 @!p3 s6, s1;
	s6 =	simm.s32 @!p1 $0x4080  }
0x10b: {  	[tilespmem:s15], [sflag:$0x1] =	stream.linear.gather [hbm4b:s0+s2], $0x800, $0x38;
	[tilespmem:$0xC080] =	vst v63  }
0x10c: {  	s0 =	sor.u32 s13, s7;
	s7 =	rddreg [dreg:$0xf];
	s9 =	sshrl.u32 @!p0 s10, $0x3  }
0x10d: {  	s10 =	simm.s32 @!p0 $0x0;
	s8 =	sshrl.u32 @!p4 s8, $0x3;
	s1 =	sshrl.u32 @!p3 s1, $0x3  }
0x10e: {  	[tilespmem:s14], [sflag:$0x2] =	stream.linear.gather [hbm4b:s5+s2], $0x800, $0x38;
	[tilespmem:$0xC080] =	vst v63  }
0x10f: {  	s17 =	sshrl.u32 s0, $0x3;
	s0 =	simm.s32 @!p2 $0x0;
	s9 =	sadd.s32 @!p0 s3, s9  }
0x110: {  	[tilespmem:s12], [sflag:$0x3] =	stream.linear.gather [hbm4b:s18+s2], $0x800, $0x38;
	[tilespmem:$0xC080] =	vst v63  }
0x111: {  	s7 =	sadd.s32 @!p1 s7, s11;
	s5 =	rddreg [dreg:$0x10];
	s4 =	sadd.s32 s29, s17  }
0x112: {  	[tilespmem:s26], [sflag:$0x4] =	stream.linear.gather [hbm4b:s4+s2], $0x800, $0x38;
	[tilespmem:$0xC080] =	vst v63  }
0x113: {  	s7 =	sshrl.u32 @!p1 s7, $0x3;
	s5 =	sadd.s32 @!p2 s5, s11;
	s4 =	simm.s32 @!p0 $0x2080  }
0x114: {  	[tilespmem:s4], [sflag:$0x5] =	stream.linear.gather @!p0 [hbm4b:s9+s10], $0x2000, $0x38;
	[tilespmem:$0xC080] =	vst v63  }
0x115: {  	s11 =	simm.s32 @!p1 $0x0;
	s7 =	sadd.s32 @!p1 s3, s7;
	s5 =	sshrl.u32 @!p2 s5, $0x3  }
0x116: {  	[tilespmem:s6], [sflag:$0x6] =	stream.linear.gather @!p1 [hbm4b:s7+s11], $0x2000, $0x38;
	[tilespmem:$0xC080] =	vst v63  }
0x117: {  	s5 =	sadd.s32 @!p2 s3, s5;
	s3 =	sadd.s32 @!p4 s3, s8;
	s9 =	simm.s32 @!p2 $0x6080  }
0x118: {  	[tilespmem:s9], [sflag:$0x7] =	stream.linear.gather @!p2 [hbm4b:s5+s0], $0x2000, $0x38;
	[tilespmem:$0xC080] =	vst v63  }
0x119: {  	s8 =	simm.s32 @!p4 $0x8080;
	s7 =	rddreg [dreg:$0x8];
	s5 =	simm.s32 @!p4 $0x0  }
0x11a: {  	[tilespmem:s8], [sflag:$0x8] =	stream.linear.gather @!p4 [hbm4b:s3+s5], $0x2000, $0x38;
	[tilespmem:$0xC080] =	vst v63  }
0x11b: {  	s1 =	sadd.s32 @!p3 s7, s1;
	s7 =	simm.s32 @!p3 $0xA080;
	s3 =	simm.s32 @!p3 $0x0  }
0x11c: {  	[tilespmem:s7], [sflag:$0x9] =	stream.linear.gather @!p3 [hbm4b:s1+s3], $0x2000, $0x38;
	[tilespmem:$0xC080] =	vst v63  }
0x11d: {  	_ =	swait.ge [sflag:s30], $0x800  }
0x11e: {  	[sflag:s30] =	ssyncset.done $0x0  }
0x11f: {  	s20 =	rddreg [dreg:$0x13];
	[sflag:s30] =	ssyncadd.s32 $0xFFFFF800  }
0x120: {  	[hbm4b:s20+s2] =	stream.linear.scatter [tilespmem:s15], [sflag:$0xA], $0x800, $0x38;
	[tilespmem:$0xC080] =	vst v63  }
0x121: {  	_ =	swait.ge [sflag:s31], $0x800  }
0x122: {  	[sflag:s31] =	ssyncset.done $0x0  }
0x123: {  	s29 =	rddreg [dreg:$0x14];
	[sflag:s31] =	ssyncadd.s32 $0xFFFFF800  }
0x124: {  	[hbm4b:s29+s2] =	stream.linear.scatter [tilespmem:s14], [sflag:$0xB], $0x800, $0x38;
	[tilespmem:$0xC080] =	vst v63  }
0x125: {  	_ =	swait.ge [sflag:s16], $0x800  }
0x126: {  	[sflag:s16] =	ssyncset.done $0x0  }
0x127: {  	s30 =	rddreg [dreg:$0x15];
	[sflag:s16] =	ssyncadd.s32 $0xFFFFF800  }
0x128: {  	[hbm4b:s30+s2] =	stream.linear.scatter [tilespmem:s12], [sflag:$0xC], $0x800, $0x38;
	[tilespmem:$0xC080] =	vst v63  }
0x129: {  	_ =	swait.ge [sflag:s28], $0x800  }
0x12a: {  	[sflag:s28] =	ssyncset.done $0x0  }
0x12b: {  	s1 =	simm.s32 @!p0 $0x5;
	s31 =	rddreg [dreg:$0x16];
	[sflag:s28] =	ssyncadd.s32 $0xFFFFF800  }
0x12c: {  	[hbm4b:s31+s2] =	stream.linear.scatter [tilespmem:s26], [sflag:$0xD], $0x800, $0x38;
	[tilespmem:$0xC080] =	vst v63  }
0x12d: {  	_ =	swait.ge @!p0 [sflag:s1], $0x2000  }
0x12e: {  	[sflag:s1] =	ssyncset.done @!p0 $0x0  }
0x12f: {  	s2 =	rddreg [dreg:$0x17];
	[sflag:s1] =	ssyncadd.s32 @!p0 $0xFFFFE000;
	s1 =	simm.s32 @!p1 $0x6  }
0x130: {  	[hbm4b:s2+s10] =	stream.linear.scatter @!p0 [tilespmem:s4], [sflag:$0xE], $0x2000, $0x38;
	[tilespmem:$0xC080] =	vst v63  }
0x131: {  	_ =	swait.ge @!p1 [sflag:s1], $0x2000  }
0x132: {  	[sflag:s1] =	ssyncset.done @!p1 $0x0  }
0x133: {  	s2 =	rddreg [dreg:$0x18];
	[sflag:s1] =	ssyncadd.s32 @!p1 $0xFFFFE000;
	s1 =	simm.s32 @!p2 $0x7  }
0x134: {  	[hbm4b:s2+s11] =	stream.linear.scatter @!p1 [tilespmem:s6], [sflag:$0xF], $0x2000, $0x38;
	[tilespmem:$0xC080] =	vst v63  }
0x135: {  	_ =	swait.ge @!p2 [sflag:s1], $0x2000  }
0x136: {  	[sflag:s1] =	ssyncset.done @!p2 $0x0  }
0x137: {  	s2 =	rddreg [dreg:$0x19];
	[sflag:s1] =	ssyncadd.s32 @!p2 $0xFFFFE000  }
0x138: {  	[hbm4b:s2+s0] =	stream.linear.scatter @!p2 [tilespmem:s9], [sflag:$0x10], $0x2000, $0x38;
	[tilespmem:$0xC080] =	vst v63  }
0x139: {  	s0 =	simm.s32 @!p4 $0x8  }
0x13a: {  	_ =	swait.ge @!p4 [sflag:s0], $0x2000  }
0x13b: {  	[sflag:s0] =	ssyncset.done @!p4 $0x0  }
0x13c: {  	s1 =	rddreg [dreg:$0x1a];
	[sflag:s0] =	ssyncadd.s32 @!p4 $0xFFFFE000;
	s0 =	simm.s32 @!p3 $0x9  }
0x13d: {  	[hbm4b:s1+s5] =	stream.linear.scatter @!p4 [tilespmem:s8], [sflag:$0x11], $0x2000, $0x38;
	[tilespmem:$0xC080] =	vst v63  }
0x13e: {  	_ =	swait.ge @!p3 [sflag:s0], $0x2000  }
0x13f: {  	[sflag:s0] =	ssyncset.done @!p3 $0x0  }
0x140: {  	s1 =	rddreg [dreg:$0x1b];
	[sflag:s0] =	ssyncadd.s32 @!p3 $0xFFFFE000  }
0x141: {  	[hbm4b:s1+s3] =	stream.linear.scatter @!p3 [tilespmem:s7], [sflag:$0x12], $0x2000, $0x38;
	[tilespmem:$0xC080] =	vst v63  }
0x142: {  	_ =	swait.ge [sflag:s25], $0x800  }
0x143: {  	[sflag:s25] =	ssyncset.done $0x0  }
0x144: {  	[sflag:s25] =	ssyncadd.s32 $0xFFFFF800  }
0x145: {  	_ =	swait.ge [sflag:s24], $0x800  }
0x146: {  	[sflag:s24] =	ssyncset.done $0x0  }
0x147: {  	[sflag:s24] =	ssyncadd.s32 $0xFFFFF800  }
0x148: {  	_ =	swait.ge [sflag:s23], $0x800  }
0x149: {  	[sflag:s23] =	ssyncset.done $0x0  }
0x14a: {  	[sflag:s23] =	ssyncadd.s32 $0xFFFFF800  }
0x14b: {  	_ =	swait.ge [sflag:s22], $0x800  }
0x14c: {  	[sflag:s22] =	ssyncset.done $0x0  }
0x14d: {  	s0 =	simm.s32 @!p0 $0xE;
	[sflag:s22] =	ssyncadd.s32 $0xFFFFF800  }
0x14e: {  	_ =	swait.ge @!p0 [sflag:s0], $0x2000  }
0x14f: {  	[sflag:s0] =	ssyncset.done @!p0 $0x0  }
0x150: {  	[sflag:s0] =	ssyncadd.s32 @!p0 $0xFFFFE000;
	s0 =	simm.s32 @!p1 $0xF  }
0x151: {  	_ =	swait.ge @!p1 [sflag:s0], $0x2000  }
0x152: {  	[sflag:s0] =	ssyncset.done @!p1 $0x0  }
0x153: {  	[sflag:s0] =	ssyncadd.s32 @!p1 $0xFFFFE000;
	s0 =	simm.s32 @!p2 $0x10  }
0x154: {  	_ =	swait.ge @!p2 [sflag:s0], $0x2000  }
0x155: {  	[sflag:s0] =	ssyncset.done @!p2 $0x0  }
0x156: {  	[sflag:s0] =	ssyncadd.s32 @!p2 $0xFFFFE000;
	s0 =	simm.s32 @!p4 $0x11  }
0x157: {  	_ =	swait.ge @!p4 [sflag:s0], $0x2000  }
0x158: {  	[sflag:s0] =	ssyncset.done @!p4 $0x0  }
0x159: {  	[sflag:s0] =	ssyncadd.s32 @!p4 $0xFFFFE000;
	s0 =	simm.s32 @!p3 $0x12  }
0x15a: {  	_ =	swait.ge @!p3 [sflag:s0], $0x2000  }
0x15b: {  	[sflag:s0] =	ssyncset.done @!p3 $0x0  }
0x15c: {  	[sflag:s0] =	ssyncadd.s32 @!p3 $0xFFFFE000  }
0x15d: {  	_ =	sfence.sel $0x180000  }
0x15e: {  	[bflag:$0x0] =	sbarrier.arrive $0xFFFF  }
0x15f: {  	p0 =	sne.s32 s21, $0x0;
	_ =	strace $0x90000047  }
0x160: {  	s0 =	sadd.s32 @!p0 $0x100000, s19;
	[bflag:$0x2] =	sbarrier.arrive $0xFFFF  }
0x161: {  	[sflag:s0] =	ssyncadd.tile.s32 @!p0 $0x1;
	_ =	shalt  }
.LBB2_1:
.Ltmp3:
0x162: {  	(pc) =	sbr.rel .LBB2_6-.Ltmp3, $2  }
0x163: {  	_ =	sdelay $0x2  }
0x164: {  	_ = 	snop  }
.LBB2_7:
.Ltmp4:
0x165: {  	(pc) =	sbr.rel .LBB2_6-.Ltmp4, $4  }
0x166: {  	s19 =	rddreg [dreg:$0x7]  }
0x167: {  	s21 =	stileid.u32;
	s12 =	simm.s32 $0x1080;
	s14 =	simm.s32 $0x880  }
0x168: {  	s15 =	simm.s32 $0x80;
	s16 =	simm.s32 $0x3;
	s31 =	simm.s32 $0x2  }
0x169: {  	s30 =	simm.s32 $0x1;
	s3 =	smov.u32 s4;
	p5 =	por $0x1, $0x1  }
.Lfunc_end2:
_tile_overlayer_lowered:
.L_overlay_start_2:
0x16a: {  	(tag) =	ssettag $0x2  }
0x16b: {  	s0 =	rddreg [dreg:$0x0];
	s2 =	stileid.u32  }
0x16c: {  	s1 =	rddreg [dreg:$0x1];
	p0 =	sne.s32 s2, $0x0  }
0x16d: {  	s3 =	rddreg [dreg:$0x2];
	[bflag:$0x3] =	sbarrier.arrive $0xFFFF;
	s2 =	simm.s32 @!p0 $0x1C13  }
0x16e: {  	[timem:s3], [sflag:s2] =	dma.local @!p0 [hbm:s0], s1  }
0x16f: {  	s0 =	simm.s32 @!p0 $0x13  }
0x170: {  	_ =	swait.ge @!p0 [sflag:s0], s1  }
0x171: {  	s1 =	ssub.s32 @!p0 $0x0, s1;
	[sflag:s0] =	ssyncset.done @!p0 $0x0  }
0x172: {  	[sflag:s0] =	ssyncadd.s32 @!p0 s1  }
0x173: {  	[bflag:$0x3] =	sbarrier.arrive $0xFFFF  }
0x174: {  	_ =	shalt  }

</sc_bundles>
